<compile_context>
chip_gen: v7x
topology: tpu7x:2x2x1
jax: 0.10.2.dev20260603
libtpu: 0.0.44.dev20260713+nightly
codegen_flags: <defaults>
</compile_context>

<pallas_src>
import functools

import jax
import jax.numpy as jnp
from jax import lax
from jax.experimental import pallas as pl
from jax.experimental.pallas import tpu as pltpu
from jax.experimental.pallas import tpu_sc as plsc

ROWS = 32768
CH = 2048
L = 16
NC = 2
NS = 16
NW = NC * NS
ROWS_PER_W = ROWS // NW
RI = 16
RO = 8
NSLAB = ROWS_PER_W // RI
G = CH // L
CBI = RI * CH
CBO = RO * CH

_mesh = plsc.VectorSubcoreMesh(core_axis_name="c", subcore_axis_name="s")


@functools.partial(
    pl.kernel,
    mesh=_mesh,
    out_type=jax.ShapeDtypeStruct((ROWS * CH,), jnp.float32),
    scratch_types=[
        pltpu.VMEM((CH,), jnp.int32),
        pltpu.VMEM((CBI,), jnp.float32),
        pltpu.VMEM((CBI,), jnp.float32),
        pltpu.VMEM((CBO,), jnp.float32),
        pltpu.VMEM((CBO,), jnp.float32),
        pltpu.SemaphoreType.DMA,
        pltpu.SemaphoreType.DMA,
        pltpu.SemaphoreType.DMA,
        pltpu.SemaphoreType.DMA,
    ],
    compiler_params=pltpu.CompilerParams(needs_layout_passes=False),
)
def _permute(in_hbm, pidx_hbm, out_hbm, pidx_v,
             in0, in1, out0, out1,
             si0, si1, so0, so1):
    wid = lax.axis_index("s") * NC + lax.axis_index("c")
    base = wid * ROWS_PER_W * CH
    pltpu.sync_copy(pidx_hbm, pidx_v)

    ins, outs = [in0, in1], [out0, out1]
    sis, sos = [si0, si1], [so0, so1]

    def in_copy(n, b):
        return pltpu.make_async_copy(
            in_hbm.at[pl.ds(base + n * CBI, CBI)], ins[b], sis[b])

    def out_copy(n, h):
        return pltpu.make_async_copy(
            outs[h], out_hbm.at[pl.ds(base + (2 * n + h) * CBO, CBO)], sos[h])

    def compute(bi, h):
        inbuf, outbuf = ins[bi], outs[h]
        hoff = h * CBO

        @plsc.parallel_loop(0, G, unroll=2)
        def _group_body(g):
            q0 = (g >> 3) * 1024 + (g & 7) * L
            idx = pidx_v[pl.ds(g * L, L)] + hoff
            for r in range(RO):
                v = plsc.load_gather(inbuf, [idx + (r * 128)])
                outbuf[pl.ds(q0 + r * 128, L)] = v

    in_copy(0, 0).start()
    NPAIR = NSLAB // 2

    def pair_body(c, carry):
        n0 = 2 * c
        for k in range(2):
            n = n0 + k
            if k == 0:
                in_copy(n + 1, 1).start()
            else:
                @pl.when(c < NPAIR - 1)
                def _():
                    in_copy(n + 1, 0).start()

            in_copy(n, k).wait()

            for h in range(2):
                @pl.when(n > 0)
                def _():
                    out_copy(n - 1, h).wait()

                compute(k, h)
                out_copy(n, h).start()
        return carry

    lax.fori_loop(0, NPAIR, pair_body, 0)
    for h in range(2):
        out_copy(NSLAB - 1, h).wait()


def kernel(input, perm):
    perm = perm.astype(jnp.int32)
    pidx = (perm // 128) * 1024 + (perm % 128)
    in_phys = input.reshape(ROWS // 8, 8, CH // 128, 128)
    in_phys = in_phys.transpose(0, 2, 1, 3).reshape(-1)
    out_phys = _permute(in_phys, pidx)
    out = out_phys.reshape(ROWS // 8, CH // 128, 8, 128)
    return out.transpose(0, 2, 1, 3).reshape(ROWS, CH)

# --- scband reference (transcript-rebuilt; emitter-appended) ---
"""Pipeline reference for scband-random-permute-56676388438724 (READ-ONLY COPY).

The authoritative reference and input builder live on the scoring server;
editing this copy changes nothing except your own understanding.
"""

import jax, jax.numpy as jnp
import numpy as np

CH_IN = 2048
SEED = 0

def _make_perm():
    np.random.seed(SEED)
    perm = np.random.permutation(CH_IN)
    return jnp.asarray(perm, dtype=jnp.int64)

def setup_inputs(seed: int = 0) -> dict:
    key = jax.random.key(seed)
    x = jax.random.normal(key, (32768, CH_IN), dtype=jnp.float32)
    perm = _make_perm()
    return {"input": x, "perm": perm}

def reference(input, perm):
    # output = input[:, perm, ...] -- fixed random channel permutation (gather)
    output = jnp.take(input, perm, axis=1)
    return output

if __name__ == "__main__":
    import jax
    _d = setup_inputs()
    print(jax.jit(kernel)(*tuple(_d.values())))

</pallas_src>

<mosaic_0001>
#map = affine_map<(d0, d1) -> (0)>
module attributes {stable_mosaic.version = 14 : i64} {
  func.func @_permute(%arg0: i32, %arg1: i32, %arg2: memref<67108864xf32, #tpu.memory_space<hbm>>, %arg3: memref<2048xi32, #tpu.memory_space<hbm>>, %arg4: memref<67108864xf32, #tpu.memory_space<hbm>>, %arg5: memref<2048xi32, #tpu.memory_space<vmem>>, %arg6: memref<32768xf32, #tpu.memory_space<vmem>>, %arg7: memref<32768xf32, #tpu.memory_space<vmem>>, %arg8: memref<16384xf32, #tpu.memory_space<vmem>>, %arg9: memref<16384xf32, #tpu.memory_space<vmem>>, %arg10: memref<!tpu.dma_semaphore, #tpu.memory_space<semaphore_mem>>, %arg11: memref<!tpu.dma_semaphore, #tpu.memory_space<semaphore_mem>>, %arg12: memref<!tpu.dma_semaphore, #tpu.memory_space<semaphore_mem>>, %arg13: memref<!tpu.dma_semaphore, #tpu.memory_space<semaphore_mem>>) attributes {dimension_semantics = [#tpu.dimension_semantics<core_parallel>, #tpu.dimension_semantics<subcore_parallel>], iteration_bounds = array<i64: 2, 16>, scalar_prefetch = 0 : i64, scratch_operands = 9 : i64, tpu.core_type = #tpu.core_type<sc_vector_subcore>, window_params = [{transform_indices = #map}, {transform_indices = #map}, {transform_indices = #map}]} {
    %mul3A = arith.constant 2 : i32
    %mul3A_0 = arith.muli %arg1, %mul3A : i32
    %add3A = arith.addi %mul3A_0, %arg0 : i32
    %mul3A_1 = arith.constant 1024 : i32
    %mul3A_2 = arith.muli %add3A, %mul3A_1 : i32
    %mul3A_3 = arith.constant 2048 : i32
    %mul3A_4 = arith.muli %mul3A_2, %mul3A_3 : i32
    "tpu.region"() ({
      %run_scoped3A = tpu.sem_alloc : memref<!tpu.dma_semaphore, #tpu.memory_space<semaphore_mem>>
      tpu.enqueue_dma source(%arg3 : memref<2048xi32, #tpu.memory_space<hbm>>) target(%arg5 : memref<2048xi32, #tpu.memory_space<vmem>>) target_semaphore(%run_scoped3A : memref<!tpu.dma_semaphore, #tpu.memory_space<semaphore_mem>>)
      tpu.wait_dma2 semaphore(%run_scoped3A : memref<!tpu.dma_semaphore, #tpu.memory_space<semaphore_mem>>) src(%arg3 : memref<2048xi32, #tpu.memory_space<hbm>>) dst(%arg5 : memref<2048xi32, #tpu.memory_space<vmem>>)
      tpu.yield
    }) : () -> ()
    %add3A_5 = arith.constant 0 : i32
    %add3A_6 = arith.addi %mul3A_4, %add3A_5 : i32
    %dma_start3A = tpu.memref_slice %arg2[%add3A_6] : memref<67108864xf32, #tpu.memory_space<hbm>> -> memref<32768xf32, #tpu.memory_space<hbm>>
    %dma_start3A_7 = tpu.memref_slice %arg2[%add3A_6] : memref<67108864xf32, #tpu.memory_space<hbm>> -> memref<32768xf32, #tpu.memory_space<hbm>>
    tpu.enqueue_dma source(%dma_start3A_7 : memref<32768xf32, #tpu.memory_space<hbm>>) target(%arg6 : memref<32768xf32, #tpu.memory_space<vmem>>) target_semaphore(%arg10 : memref<!tpu.dma_semaphore, #tpu.memory_space<semaphore_mem>>)
    %scan3A = arith.constant 0 : i32
    %scan3A_8 = arith.constant 0 : i32
    %scan3A_9 = arith.constant 32 : i32
    %scan3A_10 = arith.addi %scan3A_8, %scan3A_9 : i32
    %scan3A_11 = arith.constant 1 : i32
    scf.for %scan3A_20 = %scan3A_8 to %scan3A_10 step %scan3A_11  : i32 {
      %mul3A_21 = arith.constant 2 : i32
      %mul3A_22 = arith.muli %mul3A_21, %scan3A_20 : i32
      %add3A_23 = arith.constant 0 : i32
      %add3A_24 = arith.addi %mul3A_22, %add3A_23 : i32
      %add3A_25 = arith.constant 1 : i32
      %add3A_26 = arith.addi %add3A_24, %add3A_25 : i32
      %mul3A_27 = arith.constant 32768 : i32
      %mul3A_28 = arith.muli %add3A_26, %mul3A_27 : i32
      %add3A_29 = arith.addi %mul3A_4, %mul3A_28 : i32
      %dma_start3A_30 = tpu.memref_slice %arg2[%add3A_29] : memref<67108864xf32, #tpu.memory_space<hbm>> -> memref<32768xf32, #tpu.memory_space<hbm>>
      %dma_start3A_31 = tpu.memref_slice %arg2[%add3A_29] : memref<67108864xf32, #tpu.memory_space<hbm>> -> memref<32768xf32, #tpu.memory_space<hbm>>
      tpu.enqueue_dma source(%dma_start3A_31 : memref<32768xf32, #tpu.memory_space<hbm>>) target(%arg7 : memref<32768xf32, #tpu.memory_space<vmem>>) target_semaphore(%arg11 : memref<!tpu.dma_semaphore, #tpu.memory_space<semaphore_mem>>)
      %mul3A_32 = arith.constant 32768 : i32
      %mul3A_33 = arith.muli %add3A_24, %mul3A_32 : i32
      %add3A_34 = arith.addi %mul3A_4, %mul3A_33 : i32
      %dma_wait3A_35 = tpu.memref_slice %arg2[%add3A_34] : memref<67108864xf32, #tpu.memory_space<hbm>> -> memref<32768xf32, #tpu.memory_space<hbm>>
      %dma_wait3A_36 = tpu.memref_slice %arg2[%add3A_34] : memref<67108864xf32, #tpu.memory_space<hbm>> -> memref<32768xf32, #tpu.memory_space<hbm>>
      tpu.wait_dma2 semaphore(%arg10 : memref<!tpu.dma_semaphore, #tpu.memory_space<semaphore_mem>>) src(%dma_wait3A_36 : memref<32768xf32, #tpu.memory_space<hbm>>) dst(%arg6 : memref<32768xf32, #tpu.memory_space<vmem>>)
      %gt3A = arith.constant 0 : i32
      %gt3A_37 = arith.cmpi sgt, %add3A_24, %gt3A : i32
      %convert_element_type3A = arith.extui %gt3A_37 : i1 to i32
      %cond3A = arith.constant 0 : i32
      %cond3A_38 = arith.cmpi ne, %convert_element_type3A, %cond3A : i32
      scf.if %cond3A_38 {
        %sub3A = arith.constant 1 : i32
        %sub3A_112 = arith.subi %add3A_24, %sub3A : i32
        %mul3A_113 = arith.constant 2 : i32
        %mul3A_114 = arith.muli %mul3A_113, %sub3A_112 : i32
        %add3A_115 = arith.constant 0 : i32
        %add3A_116 = arith.addi %mul3A_114, %add3A_115 : i32
        %mul3A_117 = arith.constant 16384 : i32
        %mul3A_118 = arith.muli %add3A_116, %mul3A_117 : i32
        %add3A_119 = arith.addi %mul3A_4, %mul3A_118 : i32
        %dma_wait3A_120 = tpu.memref_slice %arg4[%add3A_119] : memref<67108864xf32, #tpu.memory_space<hbm>> -> memref<16384xf32, #tpu.memory_space<hbm>>
        %dma_wait3A_121 = tpu.memref_slice %arg4[%add3A_119] : memref<67108864xf32, #tpu.memory_space<hbm>> -> memref<16384xf32, #tpu.memory_space<hbm>>
        tpu.wait_dma2 semaphore(%arg12 : memref<!tpu.dma_semaphore, #tpu.memory_space<semaphore_mem>>) src(%arg8 : memref<16384xf32, #tpu.memory_space<vmem>>) dst(%dma_wait3A_121 : memref<16384xf32, #tpu.memory_space<hbm>>)
      } else {
      }
      %parallel_loop3A = arith.constant 0 : i32
      %parallel_loop3A_39 = arith.constant 128 : i32
      %parallel_loop3A_40 = arith.constant 1 : i32
      scf.for %parallel_loop3A_112 = %parallel_loop3A to %parallel_loop3A_39 step %parallel_loop3A_40  : i32 {
        %parallel_loop3A_113 = arith.constant 3 : i32
        %parallel_loop3A_114 = arith.shrsi %parallel_loop3A_112, %parallel_loop3A_113 : i32
        %parallel_loop3A_115 = arith.constant 1024 : i32
        %parallel_loop3A_116 = arith.muli %parallel_loop3A_114, %parallel_loop3A_115 : i32
        %parallel_loop3A_117 = arith.constant 7 : i32
        %parallel_loop3A_118 = arith.andi %parallel_loop3A_112, %parallel_loop3A_117 : i32
        %parallel_loop3A_119 = arith.constant 16 : i32
        %parallel_loop3A_120 = arith.muli %parallel_loop3A_118, %parallel_loop3A_119 : i32
        %parallel_loop3A_121 = arith.addi %parallel_loop3A_116, %parallel_loop3A_120 : i32
        %parallel_loop3A_122 = arith.constant 16 : i32
        %parallel_loop3A_123 = arith.muli %parallel_loop3A_112, %parallel_loop3A_122 : i32
        %parallel_loop3A_124 = arith.index_cast %parallel_loop3A_123 : i32 to index
        %parallel_loop3A_125 = tpu.vector_load %arg5[%parallel_loop3A_124] {strides = array<i32>} : memref<2048xi32, #tpu.memory_space<vmem>>, vector<16xi32>,
        %parallel_loop3A_126 = arith.constant 0 : i32
        %parallel_loop3A_127 = vector.broadcast %parallel_loop3A_126 : i32 to vector<16xi32>
        %parallel_loop3A_128 = arith.addi %parallel_loop3A_125, %parallel_loop3A_127 : vector<16xi32>
        %parallel_loop3A_129 = arith.constant 0 : i32
        %parallel_loop3A_130 = vector.broadcast %parallel_loop3A_129 : i32 to vector<16xi32>
        %parallel_loop3A_131 = arith.addi %parallel_loop3A_128, %parallel_loop3A_130 : vector<16xi32>
        %parallel_loop3A_132 = tpu.vector_load_idx %arg6[%parallel_loop3A_131] : memref<32768xf32, #tpu.memory_space<vmem>>[vector<16xi32>], vector<16xf32>,
        %parallel_loop3A_133 = arith.constant 0 : i32
        %parallel_loop3A_134 = arith.addi %parallel_loop3A_121, %parallel_loop3A_133 : i32
        %parallel_loop3A_135 = arith.index_cast %parallel_loop3A_134 : i32 to index
        %parallel_loop3A_136 = tpu.vector_load %arg8[%parallel_loop3A_135] {strides = array<i32>} : memref<16384xf32, #tpu.memory_space<vmem>>, vector<16xf32>,
        tpu.vector_store %arg8[%parallel_loop3A_135], %parallel_loop3A_132 {strides = array<i32>} : memref<16384xf32, #tpu.memory_space<vmem>>, vector<16xf32>,
        %parallel_loop3A_137 = arith.constant 128 : i32
        %parallel_loop3A_138 = vector.broadcast %parallel_loop3A_137 : i32 to vector<16xi32>
        %parallel_loop3A_139 = arith.addi %parallel_loop3A_128, %parallel_loop3A_138 : vector<16xi32>
        %parallel_loop3A_140 = tpu.vector_load_idx %arg6[%parallel_loop3A_139] : memref<32768xf32, #tpu.memory_space<vmem>>[vector<16xi32>], vector<16xf32>,
        %parallel_loop3A_141 = arith.constant 128 : i32
        %parallel_loop3A_142 = arith.addi %parallel_loop3A_121, %parallel_loop3A_141 : i32
        %parallel_loop3A_143 = arith.index_cast %parallel_loop3A_142 : i32 to index
        %parallel_loop3A_144 = tpu.vector_load %arg8[%parallel_loop3A_143] {strides = array<i32>} : memref<16384xf32, #tpu.memory_space<vmem>>, vector<16xf32>,
        tpu.vector_store %arg8[%parallel_loop3A_143], %parallel_loop3A_140 {strides = array<i32>} : memref<16384xf32, #tpu.memory_space<vmem>>, vector<16xf32>,
        %parallel_loop3A_145 = arith.constant 256 : i32
        %parallel_loop3A_146 = vector.broadcast %parallel_loop3A_145 : i32 to vector<16xi32>
        %parallel_loop3A_147 = arith.addi %parallel_loop3A_128, %parallel_loop3A_146 : vector<16xi32>
        %parallel_loop3A_148 = tpu.vector_load_idx %arg6[%parallel_loop3A_147] : memref<32768xf32, #tpu.memory_space<vmem>>[vector<16xi32>], vector<16xf32>,
        %parallel_loop3A_149 = arith.constant 256 : i32
        %parallel_loop3A_150 = arith.addi %parallel_loop3A_121, %parallel_loop3A_149 : i32
        %parallel_loop3A_151 = arith.index_cast %parallel_loop3A_150 : i32 to index
        %parallel_loop3A_152 = tpu.vector_load %arg8[%parallel_loop3A_151] {strides = array<i32>} : memref<16384xf32, #tpu.memory_space<vmem>>, vector<16xf32>,
        tpu.vector_store %arg8[%parallel_loop3A_151], %parallel_loop3A_148 {strides = array<i32>} : memref<16384xf32, #tpu.memory_space<vmem>>, vector<16xf32>,
        %parallel_loop3A_153 = arith.constant 384 : i32
        %parallel_loop3A_154 = vector.broadcast %parallel_loop3A_153 : i32 to vector<16xi32>
        %parallel_loop3A_155 = arith.addi %parallel_loop3A_128, %parallel_loop3A_154 : vector<16xi32>
        %parallel_loop3A_156 = tpu.vector_load_idx %arg6[%parallel_loop3A_155] : memref<32768xf32, #tpu.memory_space<vmem>>[vector<16xi32>], vector<16xf32>,
        %parallel_loop3A_157 = arith.constant 384 : i32
        %parallel_loop3A_158 = arith.addi %parallel_loop3A_121, %parallel_loop3A_157 : i32
        %parallel_loop3A_159 = arith.index_cast %parallel_loop3A_158 : i32 to index
        %parallel_loop3A_160 = tpu.vector_load %arg8[%parallel_loop3A_159] {strides = array<i32>} : memref<16384xf32, #tpu.memory_space<vmem>>, vector<16xf32>,
        tpu.vector_store %arg8[%parallel_loop3A_159], %parallel_loop3A_156 {strides = array<i32>} : memref<16384xf32, #tpu.memory_space<vmem>>, vector<16xf32>,
        %parallel_loop3A_161 = arith.constant 512 : i32
        %parallel_loop3A_162 = vector.broadcast %parallel_loop3A_161 : i32 to vector<16xi32>
        %parallel_loop3A_163 = arith.addi %parallel_loop3A_128, %parallel_loop3A_162 : vector<16xi32>
        %parallel_loop3A_164 = tpu.vector_load_idx %arg6[%parallel_loop3A_163] : memref<32768xf32, #tpu.memory_space<vmem>>[vector<16xi32>], vector<16xf32>,
        %parallel_loop3A_165 = arith.constant 512 : i32
        %parallel_loop3A_166 = arith.addi %parallel_loop3A_121, %parallel_loop3A_165 : i32
        %parallel_loop3A_167 = arith.index_cast %parallel_loop3A_166 : i32 to index
        %parallel_loop3A_168 = tpu.vector_load %arg8[%parallel_loop3A_167] {strides = array<i32>} : memref<16384xf32, #tpu.memory_space<vmem>>, vector<16xf32>,
        tpu.vector_store %arg8[%parallel_loop3A_167], %parallel_loop3A_164 {strides = array<i32>} : memref<16384xf32, #tpu.memory_space<vmem>>, vector<16xf32>,
        %parallel_loop3A_169 = arith.constant 640 : i32
        %parallel_loop3A_170 = vector.broadcast %parallel_loop3A_169 : i32 to vector<16xi32>
        %parallel_loop3A_171 = arith.addi %parallel_loop3A_128, %parallel_loop3A_170 : vector<16xi32>
        %parallel_loop3A_172 = tpu.vector_load_idx %arg6[%parallel_loop3A_171] : memref<32768xf32, #tpu.memory_space<vmem>>[vector<16xi32>], vector<16xf32>,
        %parallel_loop3A_173 = arith.constant 640 : i32
        %parallel_loop3A_174 = arith.addi %parallel_loop3A_121, %parallel_loop3A_173 : i32
        %parallel_loop3A_175 = arith.index_cast %parallel_loop3A_174 : i32 to index
        %parallel_loop3A_176 = tpu.vector_load %arg8[%parallel_loop3A_175] {strides = array<i32>} : memref<16384xf32, #tpu.memory_space<vmem>>, vector<16xf32>,
        tpu.vector_store %arg8[%parallel_loop3A_175], %parallel_loop3A_172 {strides = array<i32>} : memref<16384xf32, #tpu.memory_space<vmem>>, vector<16xf32>,
        %parallel_loop3A_177 = arith.constant 768 : i32
        %parallel_loop3A_178 = vector.broadcast %parallel_loop3A_177 : i32 to vector<16xi32>
        %parallel_loop3A_179 = arith.addi %parallel_loop3A_128, %parallel_loop3A_178 : vector<16xi32>
        %parallel_loop3A_180 = tpu.vector_load_idx %arg6[%parallel_loop3A_179] : memref<32768xf32, #tpu.memory_space<vmem>>[vector<16xi32>], vector<16xf32>,
        %parallel_loop3A_181 = arith.constant 768 : i32
        %parallel_loop3A_182 = arith.addi %parallel_loop3A_121, %parallel_loop3A_181 : i32
        %parallel_loop3A_183 = arith.index_cast %parallel_loop3A_182 : i32 to index
        %parallel_loop3A_184 = tpu.vector_load %arg8[%parallel_loop3A_183] {strides = array<i32>} : memref<16384xf32, #tpu.memory_space<vmem>>, vector<16xf32>,
        tpu.vector_store %arg8[%parallel_loop3A_183], %parallel_loop3A_180 {strides = array<i32>} : memref<16384xf32, #tpu.memory_space<vmem>>, vector<16xf32>,
        %parallel_loop3A_185 = arith.constant 896 : i32
        %parallel_loop3A_186 = vector.broadcast %parallel_loop3A_185 : i32 to vector<16xi32>
        %parallel_loop3A_187 = arith.addi %parallel_loop3A_128, %parallel_loop3A_186 : vector<16xi32>
        %parallel_loop3A_188 = tpu.vector_load_idx %arg6[%parallel_loop3A_187] : memref<32768xf32, #tpu.memory_space<vmem>>[vector<16xi32>], vector<16xf32>,
        %parallel_loop3A_189 = arith.constant 896 : i32
        %parallel_loop3A_190 = arith.addi %parallel_loop3A_121, %parallel_loop3A_189 : i32
        %parallel_loop3A_191 = arith.index_cast %parallel_loop3A_190 : i32 to index
        %parallel_loop3A_192 = tpu.vector_load %arg8[%parallel_loop3A_191] {strides = array<i32>} : memref<16384xf32, #tpu.memory_space<vmem>>, vector<16xf32>,
        tpu.vector_store %arg8[%parallel_loop3A_191], %parallel_loop3A_188 {strides = array<i32>} : memref<16384xf32, #tpu.memory_space<vmem>>, vector<16xf32>,
      } {sc.loop_unroll_factor = 2 : i64, sc.parallel_access}
      %mul3A_41 = arith.constant 2 : i32
      %mul3A_42 = arith.muli %mul3A_41, %add3A_24 : i32
      %add3A_43 = arith.constant 0 : i32
      %add3A_44 = arith.addi %mul3A_42, %add3A_43 : i32
      %mul3A_45 = arith.constant 16384 : i32
      %mul3A_46 = arith.muli %add3A_44, %mul3A_45 : i32
      %add3A_47 = arith.addi %mul3A_4, %mul3A_46 : i32
      %dma_start3A_48 = tpu.memref_slice %arg4[%add3A_47] : memref<67108864xf32, #tpu.memory_space<hbm>> -> memref<16384xf32, #tpu.memory_space<hbm>>
      %dma_start3A_49 = tpu.memref_slice %arg4[%add3A_47] : memref<67108864xf32, #tpu.memory_space<hbm>> -> memref<16384xf32, #tpu.memory_space<hbm>>
      tpu.enqueue_dma source(%arg8 : memref<16384xf32, #tpu.memory_space<vmem>>) target(%dma_start3A_49 : memref<16384xf32, #tpu.memory_space<hbm>>) target_semaphore(%arg12 : memref<!tpu.dma_semaphore, #tpu.memory_space<semaphore_mem>>)
      %gt3A_50 = arith.constant 0 : i32
      %gt3A_51 = arith.cmpi sgt, %add3A_24, %gt3A_50 : i32
      %convert_element_type3A_52 = arith.extui %gt3A_51 : i1 to i32
      %cond3A_53 = arith.constant 0 : i32
      %cond3A_54 = arith.cmpi ne, %convert_element_type3A_52, %cond3A_53 : i32
      scf.if %cond3A_54 {
        %sub3A = arith.constant 1 : i32
        %sub3A_112 = arith.subi %add3A_24, %sub3A : i32
        %mul3A_113 = arith.constant 2 : i32
        %mul3A_114 = arith.muli %mul3A_113, %sub3A_112 : i32
        %add3A_115 = arith.constant 1 : i32
        %add3A_116 = arith.addi %mul3A_114, %add3A_115 : i32
        %mul3A_117 = arith.constant 16384 : i32
        %mul3A_118 = arith.muli %add3A_116, %mul3A_117 : i32
        %add3A_119 = arith.addi %mul3A_4, %mul3A_118 : i32
        %dma_wait3A_120 = tpu.memref_slice %arg4[%add3A_119] : memref<67108864xf32, #tpu.memory_space<hbm>> -> memref<16384xf32, #tpu.memory_space<hbm>>
        %dma_wait3A_121 = tpu.memref_slice %arg4[%add3A_119] : memref<67108864xf32, #tpu.memory_space<hbm>> -> memref<16384xf32, #tpu.memory_space<hbm>>
        tpu.wait_dma2 semaphore(%arg13 : memref<!tpu.dma_semaphore, #tpu.memory_space<semaphore_mem>>) src(%arg9 : memref<16384xf32, #tpu.memory_space<vmem>>) dst(%dma_wait3A_121 : memref<16384xf32, #tpu.memory_space<hbm>>)
      } else {
      }
      %parallel_loop3A_55 = arith.constant 0 : i32
      %parallel_loop3A_56 = arith.constant 128 : i32
      %parallel_loop3A_57 = arith.constant 1 : i32
      scf.for %parallel_loop3A_112 = %parallel_loop3A_55 to %parallel_loop3A_56 step %parallel_loop3A_57  : i32 {
        %parallel_loop3A_113 = arith.constant 3 : i32
        %parallel_loop3A_114 = arith.shrsi %parallel_loop3A_112, %parallel_loop3A_113 : i32
        %parallel_loop3A_115 = arith.constant 1024 : i32
        %parallel_loop3A_116 = arith.muli %parallel_loop3A_114, %parallel_loop3A_115 : i32
        %parallel_loop3A_117 = arith.constant 7 : i32
        %parallel_loop3A_118 = arith.andi %parallel_loop3A_112, %parallel_loop3A_117 : i32
        %parallel_loop3A_119 = arith.constant 16 : i32
        %parallel_loop3A_120 = arith.muli %parallel_loop3A_118, %parallel_loop3A_119 : i32
        %parallel_loop3A_121 = arith.addi %parallel_loop3A_116, %parallel_loop3A_120 : i32
        %parallel_loop3A_122 = arith.constant 16 : i32
        %parallel_loop3A_123 = arith.muli %parallel_loop3A_112, %parallel_loop3A_122 : i32
        %parallel_loop3A_124 = arith.index_cast %parallel_loop3A_123 : i32 to index
        %parallel_loop3A_125 = tpu.vector_load %arg5[%parallel_loop3A_124] {strides = array<i32>} : memref<2048xi32, #tpu.memory_space<vmem>>, vector<16xi32>,
        %parallel_loop3A_126 = arith.constant 16384 : i32
        %parallel_loop3A_127 = vector.broadcast %parallel_loop3A_126 : i32 to vector<16xi32>
        %parallel_loop3A_128 = arith.addi %parallel_loop3A_125, %parallel_loop3A_127 : vector<16xi32>
        %parallel_loop3A_129 = arith.constant 0 : i32
        %parallel_loop3A_130 = vector.broadcast %parallel_loop3A_129 : i32 to vector<16xi32>
        %parallel_loop3A_131 = arith.addi %parallel_loop3A_128, %parallel_loop3A_130 : vector<16xi32>
        %parallel_loop3A_132 = tpu.vector_load_idx %arg6[%parallel_loop3A_131] : memref<32768xf32, #tpu.memory_space<vmem>>[vector<16xi32>], vector<16xf32>,
        %parallel_loop3A_133 = arith.constant 0 : i32
        %parallel_loop3A_134 = arith.addi %parallel_loop3A_121, %parallel_loop3A_133 : i32
        %parallel_loop3A_135 = arith.index_cast %parallel_loop3A_134 : i32 to index
        %parallel_loop3A_136 = tpu.vector_load %arg9[%parallel_loop3A_135] {strides = array<i32>} : memref<16384xf32, #tpu.memory_space<vmem>>, vector<16xf32>,
        tpu.vector_store %arg9[%parallel_loop3A_135], %parallel_loop3A_132 {strides = array<i32>} : memref<16384xf32, #tpu.memory_space<vmem>>, vector<16xf32>,
        %parallel_loop3A_137 = arith.constant 128 : i32
        %parallel_loop3A_138 = vector.broadcast %parallel_loop3A_137 : i32 to vector<16xi32>
        %parallel_loop3A_139 = arith.addi %parallel_loop3A_128, %parallel_loop3A_138 : vector<16xi32>
        %parallel_loop3A_140 = tpu.vector_load_idx %arg6[%parallel_loop3A_139] : memref<32768xf32, #tpu.memory_space<vmem>>[vector<16xi32>], vector<16xf32>,
        %parallel_loop3A_141 = arith.constant 128 : i32
        %parallel_loop3A_142 = arith.addi %parallel_loop3A_121, %parallel_loop3A_141 : i32
        %parallel_loop3A_143 = arith.index_cast %parallel_loop3A_142 : i32 to index
        %parallel_loop3A_144 = tpu.vector_load %arg9[%parallel_loop3A_143] {strides = array<i32>} : memref<16384xf32, #tpu.memory_space<vmem>>, vector<16xf32>,
        tpu.vector_store %arg9[%parallel_loop3A_143], %parallel_loop3A_140 {strides = array<i32>} : memref<16384xf32, #tpu.memory_space<vmem>>, vector<16xf32>,
        %parallel_loop3A_145 = arith.constant 256 : i32
        %parallel_loop3A_146 = vector.broadcast %parallel_loop3A_145 : i32 to vector<16xi32>
        %parallel_loop3A_147 = arith.addi %parallel_loop3A_128, %parallel_loop3A_146 : vector<16xi32>
        %parallel_loop3A_148 = tpu.vector_load_idx %arg6[%parallel_loop3A_147] : memref<32768xf32, #tpu.memory_space<vmem>>[vector<16xi32>], vector<16xf32>,
        %parallel_loop3A_149 = arith.constant 256 : i32
        %parallel_loop3A_150 = arith.addi %parallel_loop3A_121, %parallel_loop3A_149 : i32
        %parallel_loop3A_151 = arith.index_cast %parallel_loop3A_150 : i32 to index
        %parallel_loop3A_152 = tpu.vector_load %arg9[%parallel_loop3A_151] {strides = array<i32>} : memref<16384xf32, #tpu.memory_space<vmem>>, vector<16xf32>,
        tpu.vector_store %arg9[%parallel_loop3A_151], %parallel_loop3A_148 {strides = array<i32>} : memref<16384xf32, #tpu.memory_space<vmem>>, vector<16xf32>,
        %parallel_loop3A_153 = arith.constant 384 : i32
        %parallel_loop3A_154 = vector.broadcast %parallel_loop3A_153 : i32 to vector<16xi32>
        %parallel_loop3A_155 = arith.addi %parallel_loop3A_128, %parallel_loop3A_154 : vector<16xi32>
        %parallel_loop3A_156 = tpu.vector_load_idx %arg6[%parallel_loop3A_155] : memref<32768xf32, #tpu.memory_space<vmem>>[vector<16xi32>], vector<16xf32>,
        %parallel_loop3A_157 = arith.constant 384 : i32
        %parallel_loop3A_158 = arith.addi %parallel_loop3A_121, %parallel_loop3A_157 : i32
        %parallel_loop3A_159 = arith.index_cast %parallel_loop3A_158 : i32 to index
        %parallel_loop3A_160 = tpu.vector_load %arg9[%parallel_loop3A_159] {strides = array<i32>} : memref<16384xf32, #tpu.memory_space<vmem>>, vector<16xf32>,
        tpu.vector_store %arg9[%parallel_loop3A_159], %parallel_loop3A_156 {strides = array<i32>} : memref<16384xf32, #tpu.memory_space<vmem>>, vector<16xf32>,
        %parallel_loop3A_161 = arith.constant 512 : i32
        %parallel_loop3A_162 = vector.broadcast %parallel_loop3A_161 : i32 to vector<16xi32>
        %parallel_loop3A_163 = arith.addi %parallel_loop3A_128, %parallel_loop3A_162 : vector<16xi32>
        %parallel_loop3A_164 = tpu.vector_load_idx %arg6[%parallel_loop3A_163] : memref<32768xf32, #tpu.memory_space<vmem>>[vector<16xi32>], vector<16xf32>,
        %parallel_loop3A_165 = arith.constant 512 : i32
        %parallel_loop3A_166 = arith.addi %parallel_loop3A_121, %parallel_loop3A_165 : i32
        %parallel_loop3A_167 = arith.index_cast %parallel_loop3A_166 : i32 to index
        %parallel_loop3A_168 = tpu.vector_load %arg9[%parallel_loop3A_167] {strides = array<i32>} : memref<16384xf32, #tpu.memory_space<vmem>>, vector<16xf32>,
        tpu.vector_store %arg9[%parallel_loop3A_167], %parallel_loop3A_164 {strides = array<i32>} : memref<16384xf32, #tpu.memory_space<vmem>>, vector<16xf32>,
        %parallel_loop3A_169 = arith.constant 640 : i32
        %parallel_loop3A_170 = vector.broadcast %parallel_loop3A_169 : i32 to vector<16xi32>
        %parallel_loop3A_171 = arith.addi %parallel_loop3A_128, %parallel_loop3A_170 : vector<16xi32>
        %parallel_loop3A_172 = tpu.vector_load_idx %arg6[%parallel_loop3A_171] : memref<32768xf32, #tpu.memory_space<vmem>>[vector<16xi32>], vector<16xf32>,
        %parallel_loop3A_173 = arith.constant 640 : i32
        %parallel_loop3A_174 = arith.addi %parallel_loop3A_121, %parallel_loop3A_173 : i32
        %parallel_loop3A_175 = arith.index_cast %parallel_loop3A_174 : i32 to index
        %parallel_loop3A_176 = tpu.vector_load %arg9[%parallel_loop3A_175] {strides = array<i32>} : memref<16384xf32, #tpu.memory_space<vmem>>, vector<16xf32>,
        tpu.vector_store %arg9[%parallel_loop3A_175], %parallel_loop3A_172 {strides = array<i32>} : memref<16384xf32, #tpu.memory_space<vmem>>, vector<16xf32>,
        %parallel_loop3A_177 = arith.constant 768 : i32
        %parallel_loop3A_178 = vector.broadcast %parallel_loop3A_177 : i32 to vector<16xi32>
        %parallel_loop3A_179 = arith.addi %parallel_loop3A_128, %parallel_loop3A_178 : vector<16xi32>
        %parallel_loop3A_180 = tpu.vector_load_idx %arg6[%parallel_loop3A_179] : memref<32768xf32, #tpu.memory_space<vmem>>[vector<16xi32>], vector<16xf32>,
        %parallel_loop3A_181 = arith.constant 768 : i32
        %parallel_loop3A_182 = arith.addi %parallel_loop3A_121, %parallel_loop3A_181 : i32
        %parallel_loop3A_183 = arith.index_cast %parallel_loop3A_182 : i32 to index
        %parallel_loop3A_184 = tpu.vector_load %arg9[%parallel_loop3A_183] {strides = array<i32>} : memref<16384xf32, #tpu.memory_space<vmem>>, vector<16xf32>,
        tpu.vector_store %arg9[%parallel_loop3A_183], %parallel_loop3A_180 {strides = array<i32>} : memref<16384xf32, #tpu.memory_space<vmem>>, vector<16xf32>,
        %parallel_loop3A_185 = arith.constant 896 : i32
        %parallel_loop3A_186 = vector.broadcast %parallel_loop3A_185 : i32 to vector<16xi32>
        %parallel_loop3A_187 = arith.addi %parallel_loop3A_128, %parallel_loop3A_186 : vector<16xi32>
        %parallel_loop3A_188 = tpu.vector_load_idx %arg6[%parallel_loop3A_187] : memref<32768xf32, #tpu.memory_space<vmem>>[vector<16xi32>], vector<16xf32>,
        %parallel_loop3A_189 = arith.constant 896 : i32
        %parallel_loop3A_190 = arith.addi %parallel_loop3A_121, %parallel_loop3A_189 : i32
        %parallel_loop3A_191 = arith.index_cast %parallel_loop3A_190 : i32 to index
        %parallel_loop3A_192 = tpu.vector_load %arg9[%parallel_loop3A_191] {strides = array<i32>} : memref<16384xf32, #tpu.memory_space<vmem>>, vector<16xf32>,
        tpu.vector_store %arg9[%parallel_loop3A_191], %parallel_loop3A_188 {strides = array<i32>} : memref<16384xf32, #tpu.memory_space<vmem>>, vector<16xf32>,
      } {sc.loop_unroll_factor = 2 : i64, sc.parallel_access}
      %mul3A_58 = arith.constant 2 : i32
      %mul3A_59 = arith.muli %mul3A_58, %add3A_24 : i32
      %add3A_60 = arith.constant 1 : i32
      %add3A_61 = arith.addi %mul3A_59, %add3A_60 : i32
      %mul3A_62 = arith.constant 16384 : i32
      %mul3A_63 = arith.muli %add3A_61, %mul3A_62 : i32
      %add3A_64 = arith.addi %mul3A_4, %mul3A_63 : i32
      %dma_start3A_65 = tpu.memref_slice %arg4[%add3A_64] : memref<67108864xf32, #tpu.memory_space<hbm>> -> memref<16384xf32, #tpu.memory_space<hbm>>
      %dma_start3A_66 = tpu.memref_slice %arg4[%add3A_64] : memref<67108864xf32, #tpu.memory_space<hbm>> -> memref<16384xf32, #tpu.memory_space<hbm>>
      tpu.enqueue_dma source(%arg9 : memref<16384xf32, #tpu.memory_space<vmem>>) target(%dma_start3A_66 : memref<16384xf32, #tpu.memory_space<hbm>>) target_semaphore(%arg13 : memref<!tpu.dma_semaphore, #tpu.memory_space<semaphore_mem>>)
      %add3A_67 = arith.constant 1 : i32
      %add3A_68 = arith.addi %mul3A_22, %add3A_67 : i32
      %lt3A = arith.constant 31 : i32
      %lt3A_69 = arith.cmpi slt, %scan3A_20, %lt3A : i32
      %convert_element_type3A_70 = arith.extui %lt3A_69 : i1 to i32
      %cond3A_71 = arith.constant 0 : i32
      %cond3A_72 = arith.cmpi ne, %convert_element_type3A_70, %cond3A_71 : i32
      scf.if %cond3A_72 {
        %add3A_112 = arith.constant 1 : i32
        %add3A_113 = arith.addi %add3A_68, %add3A_112 : i32
        %mul3A_114 = arith.constant 32768 : i32
        %mul3A_115 = arith.muli %add3A_113, %mul3A_114 : i32
        %add3A_116 = arith.addi %mul3A_4, %mul3A_115 : i32
        %dma_start3A_117 = tpu.memref_slice %arg2[%add3A_116] : memref<67108864xf32, #tpu.memory_space<hbm>> -> memref<32768xf32, #tpu.memory_space<hbm>>
        %dma_start3A_118 = tpu.memref_slice %arg2[%add3A_116] : memref<67108864xf32, #tpu.memory_space<hbm>> -> memref<32768xf32, #tpu.memory_space<hbm>>
        tpu.enqueue_dma source(%dma_start3A_118 : memref<32768xf32, #tpu.memory_space<hbm>>) target(%arg6 : memref<32768xf32, #tpu.memory_space<vmem>>) target_semaphore(%arg10 : memref<!tpu.dma_semaphore, #tpu.memory_space<semaphore_mem>>)
      } else {
      }
      %mul3A_73 = arith.constant 32768 : i32
      %mul3A_74 = arith.muli %add3A_68, %mul3A_73 : i32
      %add3A_75 = arith.addi %mul3A_4, %mul3A_74 : i32
      %dma_wait3A_76 = tpu.memref_slice %arg2[%add3A_75] : memref<67108864xf32, #tpu.memory_space<hbm>> -> memref<32768xf32, #tpu.memory_space<hbm>>
      %dma_wait3A_77 = tpu.memref_slice %arg2[%add3A_75] : memref<67108864xf32, #tpu.memory_space<hbm>> -> memref<32768xf32, #tpu.memory_space<hbm>>
      tpu.wait_dma2 semaphore(%arg11 : memref<!tpu.dma_semaphore, #tpu.memory_space<semaphore_mem>>) src(%dma_wait3A_77 : memref<32768xf32, #tpu.memory_space<hbm>>) dst(%arg7 : memref<32768xf32, #tpu.memory_space<vmem>>)
      %gt3A_78 = arith.constant 0 : i32
      %gt3A_79 = arith.cmpi sgt, %add3A_68, %gt3A_78 : i32
      %convert_element_type3A_80 = arith.extui %gt3A_79 : i1 to i32
      %cond3A_81 = arith.constant 0 : i32
      %cond3A_82 = arith.cmpi ne, %convert_element_type3A_80, %cond3A_81 : i32
      scf.if %cond3A_82 {
        %sub3A = arith.constant 1 : i32
        %sub3A_112 = arith.subi %add3A_68, %sub3A : i32
        %mul3A_113 = arith.constant 2 : i32
        %mul3A_114 = arith.muli %mul3A_113, %sub3A_112 : i32
        %add3A_115 = arith.constant 0 : i32
        %add3A_116 = arith.addi %mul3A_114, %add3A_115 : i32
        %mul3A_117 = arith.constant 16384 : i32
        %mul3A_118 = arith.muli %add3A_116, %mul3A_117 : i32
        %add3A_119 = arith.addi %mul3A_4, %mul3A_118 : i32
        %dma_wait3A_120 = tpu.memref_slice %arg4[%add3A_119] : memref<67108864xf32, #tpu.memory_space<hbm>> -> memref<16384xf32, #tpu.memory_space<hbm>>
        %dma_wait3A_121 = tpu.memref_slice %arg4[%add3A_119] : memref<67108864xf32, #tpu.memory_space<hbm>> -> memref<16384xf32, #tpu.memory_space<hbm>>
        tpu.wait_dma2 semaphore(%arg12 : memref<!tpu.dma_semaphore, #tpu.memory_space<semaphore_mem>>) src(%arg8 : memref<16384xf32, #tpu.memory_space<vmem>>) dst(%dma_wait3A_121 : memref<16384xf32, #tpu.memory_space<hbm>>)
      } else {
      }
      %parallel_loop3A_83 = arith.constant 0 : i32
      %parallel_loop3A_84 = arith.constant 128 : i32
      %parallel_loop3A_85 = arith.constant 1 : i32
      scf.for %parallel_loop3A_112 = %parallel_loop3A_83 to %parallel_loop3A_84 step %parallel_loop3A_85  : i32 {
        %parallel_loop3A_113 = arith.constant 3 : i32
        %parallel_loop3A_114 = arith.shrsi %parallel_loop3A_112, %parallel_loop3A_113 : i32
        %parallel_loop3A_115 = arith.constant 1024 : i32
        %parallel_loop3A_116 = arith.muli %parallel_loop3A_114, %parallel_loop3A_115 : i32
        %parallel_loop3A_117 = arith.constant 7 : i32
        %parallel_loop3A_118 = arith.andi %parallel_loop3A_112, %parallel_loop3A_117 : i32
        %parallel_loop3A_119 = arith.constant 16 : i32
        %parallel_loop3A_120 = arith.muli %parallel_loop3A_118, %parallel_loop3A_119 : i32
        %parallel_loop3A_121 = arith.addi %parallel_loop3A_116, %parallel_loop3A_120 : i32
        %parallel_loop3A_122 = arith.constant 16 : i32
        %parallel_loop3A_123 = arith.muli %parallel_loop3A_112, %parallel_loop3A_122 : i32
        %parallel_loop3A_124 = arith.index_cast %parallel_loop3A_123 : i32 to index
        %parallel_loop3A_125 = tpu.vector_load %arg5[%parallel_loop3A_124] {strides = array<i32>} : memref<2048xi32, #tpu.memory_space<vmem>>, vector<16xi32>,
        %parallel_loop3A_126 = arith.constant 0 : i32
        %parallel_loop3A_127 = vector.broadcast %parallel_loop3A_126 : i32 to vector<16xi32>
        %parallel_loop3A_128 = arith.addi %parallel_loop3A_125, %parallel_loop3A_127 : vector<16xi32>
        %parallel_loop3A_129 = arith.constant 0 : i32
        %parallel_loop3A_130 = vector.broadcast %parallel_loop3A_129 : i32 to vector<16xi32>
        %parallel_loop3A_131 = arith.addi %parallel_loop3A_128, %parallel_loop3A_130 : vector<16xi32>
        %parallel_loop3A_132 = tpu.vector_load_idx %arg7[%parallel_loop3A_131] : memref<32768xf32, #tpu.memory_space<vmem>>[vector<16xi32>], vector<16xf32>,
        %parallel_loop3A_133 = arith.constant 0 : i32
        %parallel_loop3A_134 = arith.addi %parallel_loop3A_121, %parallel_loop3A_133 : i32
        %parallel_loop3A_135 = arith.index_cast %parallel_loop3A_134 : i32 to index
        %parallel_loop3A_136 = tpu.vector_load %arg8[%parallel_loop3A_135] {strides = array<i32>} : memref<16384xf32, #tpu.memory_space<vmem>>, vector<16xf32>,
        tpu.vector_store %arg8[%parallel_loop3A_135], %parallel_loop3A_132 {strides = array<i32>} : memref<16384xf32, #tpu.memory_space<vmem>>, vector<16xf32>,
        %parallel_loop3A_137 = arith.constant 128 : i32
        %parallel_loop3A_138 = vector.broadcast %parallel_loop3A_137 : i32 to vector<16xi32>
        %parallel_loop3A_139 = arith.addi %parallel_loop3A_128, %parallel_loop3A_138 : vector<16xi32>
        %parallel_loop3A_140 = tpu.vector_load_idx %arg7[%parallel_loop3A_139] : memref<32768xf32, #tpu.memory_space<vmem>>[vector<16xi32>], vector<16xf32>,
        %parallel_loop3A_141 = arith.constant 128 : i32
        %parallel_loop3A_142 = arith.addi %parallel_loop3A_121, %parallel_loop3A_141 : i32
        %parallel_loop3A_143 = arith.index_cast %parallel_loop3A_142 : i32 to index
        %parallel_loop3A_144 = tpu.vector_load %arg8[%parallel_loop3A_143] {strides = array<i32>} : memref<16384xf32, #tpu.memory_space<vmem>>, vector<16xf32>,
        tpu.vector_store %arg8[%parallel_loop3A_143], %parallel_loop3A_140 {strides = array<i32>} : memref<16384xf32, #tpu.memory_space<vmem>>, vector<16xf32>,
        %parallel_loop3A_145 = arith.constant 256 : i32
        %parallel_loop3A_146 = vector.broadcast %parallel_loop3A_145 : i32 to vector<16xi32>
        %parallel_loop3A_147 = arith.addi %parallel_loop3A_128, %parallel_loop3A_146 : vector<16xi32>
        %parallel_loop3A_148 = tpu.vector_load_idx %arg7[%parallel_loop3A_147] : memref<32768xf32, #tpu.memory_space<vmem>>[vector<16xi32>], vector<16xf32>,
        %parallel_loop3A_149 = arith.constant 256 : i32
        %parallel_loop3A_150 = arith.addi %parallel_loop3A_121, %parallel_loop3A_149 : i32
        %parallel_loop3A_151 = arith.index_cast %parallel_loop3A_150 : i32 to index
        %parallel_loop3A_152 = tpu.vector_load %arg8[%parallel_loop3A_151] {strides = array<i32>} : memref<16384xf32, #tpu.memory_space<vmem>>, vector<16xf32>,
        tpu.vector_store %arg8[%parallel_loop3A_151], %parallel_loop3A_148 {strides = array<i32>} : memref<16384xf32, #tpu.memory_space<vmem>>, vector<16xf32>,
        %parallel_loop3A_153 = arith.constant 384 : i32
        %parallel_loop3A_154 = vector.broadcast %parallel_loop3A_153 : i32 to vector<16xi32>
        %parallel_loop3A_155 = arith.addi %parallel_loop3A_128, %parallel_loop3A_154 : vector<16xi32>
        %parallel_loop3A_156 = tpu.vector_load_idx %arg7[%parallel_loop3A_155] : memref<32768xf32, #tpu.memory_space<vmem>>[vector<16xi32>], vector<16xf32>,
        %parallel_loop3A_157 = arith.constant 384 : i32
        %parallel_loop3A_158 = arith.addi %parallel_loop3A_121, %parallel_loop3A_157 : i32
        %parallel_loop3A_159 = arith.index_cast %parallel_loop3A_158 : i32 to index
        %parallel_loop3A_160 = tpu.vector_load %arg8[%parallel_loop3A_159] {strides = array<i32>} : memref<16384xf32, #tpu.memory_space<vmem>>, vector<16xf32>,
        tpu.vector_store %arg8[%parallel_loop3A_159], %parallel_loop3A_156 {strides = array<i32>} : memref<16384xf32, #tpu.memory_space<vmem>>, vector<16xf32>,
        %parallel_loop3A_161 = arith.constant 512 : i32
        %parallel_loop3A_162 = vector.broadcast %parallel_loop3A_161 : i32 to vector<16xi32>
        %parallel_loop3A_163 = arith.addi %parallel_loop3A_128, %parallel_loop3A_162 : vector<16xi32>
        %parallel_loop3A_164 = tpu.vector_load_idx %arg7[%parallel_loop3A_163] : memref<32768xf32, #tpu.memory_space<vmem>>[vector<16xi32>], vector<16xf32>,
        %parallel_loop3A_165 = arith.constant 512 : i32
        %parallel_loop3A_166 = arith.addi %parallel_loop3A_121, %parallel_loop3A_165 : i32
        %parallel_loop3A_167 = arith.index_cast %parallel_loop3A_166 : i32 to index
        %parallel_loop3A_168 = tpu.vector_load %arg8[%parallel_loop3A_167] {strides = array<i32>} : memref<16384xf32, #tpu.memory_space<vmem>>, vector<16xf32>,
        tpu.vector_store %arg8[%parallel_loop3A_167], %parallel_loop3A_164 {strides = array<i32>} : memref<16384xf32, #tpu.memory_space<vmem>>, vector<16xf32>,
        %parallel_loop3A_169 = arith.constant 640 : i32
        %parallel_loop3A_170 = vector.broadcast %parallel_loop3A_169 : i32 to vector<16xi32>
        %parallel_loop3A_171 = arith.addi %parallel_loop3A_128, %parallel_loop3A_170 : vector<16xi32>
        %parallel_loop3A_172 = tpu.vector_load_idx %arg7[%parallel_loop3A_171] : memref<32768xf32, #tpu.memory_space<vmem>>[vector<16xi32>], vector<16xf32>,
        %parallel_loop3A_173 = arith.constant 640 : i32
        %parallel_loop3A_174 = arith.addi %parallel_loop3A_121, %parallel_loop3A_173 : i32
        %parallel_loop3A_175 = arith.index_cast %parallel_loop3A_174 : i32 to index
        %parallel_loop3A_176 = tpu.vector_load %arg8[%parallel_loop3A_175] {strides = array<i32>} : memref<16384xf32, #tpu.memory_space<vmem>>, vector<16xf32>,
        tpu.vector_store %arg8[%parallel_loop3A_175], %parallel_loop3A_172 {strides = array<i32>} : memref<16384xf32, #tpu.memory_space<vmem>>, vector<16xf32>,
        %parallel_loop3A_177 = arith.constant 768 : i32
        %parallel_loop3A_178 = vector.broadcast %parallel_loop3A_177 : i32 to vector<16xi32>
        %parallel_loop3A_179 = arith.addi %parallel_loop3A_128, %parallel_loop3A_178 : vector<16xi32>
        %parallel_loop3A_180 = tpu.vector_load_idx %arg7[%parallel_loop3A_179] : memref<32768xf32, #tpu.memory_space<vmem>>[vector<16xi32>], vector<16xf32>,
        %parallel_loop3A_181 = arith.constant 768 : i32
        %parallel_loop3A_182 = arith.addi %parallel_loop3A_121, %parallel_loop3A_181 : i32
        %parallel_loop3A_183 = arith.index_cast %parallel_loop3A_182 : i32 to index
        %parallel_loop3A_184 = tpu.vector_load %arg8[%parallel_loop3A_183] {strides = array<i32>} : memref<16384xf32, #tpu.memory_space<vmem>>, vector<16xf32>,
        tpu.vector_store %arg8[%parallel_loop3A_183], %parallel_loop3A_180 {strides = array<i32>} : memref<16384xf32, #tpu.memory_space<vmem>>, vector<16xf32>,
        %parallel_loop3A_185 = arith.constant 896 : i32
        %parallel_loop3A_186 = vector.broadcast %parallel_loop3A_185 : i32 to vector<16xi32>
        %parallel_loop3A_187 = arith.addi %parallel_loop3A_128, %parallel_loop3A_186 : vector<16xi32>
        %parallel_loop3A_188 = tpu.vector_load_idx %arg7[%parallel_loop3A_187] : memref<32768xf32, #tpu.memory_space<vmem>>[vector<16xi32>], vector<16xf32>,
        %parallel_loop3A_189 = arith.constant 896 : i32
        %parallel_loop3A_190 = arith.addi %parallel_loop3A_121, %parallel_loop3A_189 : i32
        %parallel_loop3A_191 = arith.index_cast %parallel_loop3A_190 : i32 to index
        %parallel_loop3A_192 = tpu.vector_load %arg8[%parallel_loop3A_191] {strides = array<i32>} : memref<16384xf32, #tpu.memory_space<vmem>>, vector<16xf32>,
        tpu.vector_store %arg8[%parallel_loop3A_191], %parallel_loop3A_188 {strides = array<i32>} : memref<16384xf32, #tpu.memory_space<vmem>>, vector<16xf32>,
      } {sc.loop_unroll_factor = 2 : i64, sc.parallel_access}
      %mul3A_86 = arith.constant 2 : i32
      %mul3A_87 = arith.muli %mul3A_86, %add3A_68 : i32
      %add3A_88 = arith.constant 0 : i32
      %add3A_89 = arith.addi %mul3A_87, %add3A_88 : i32
      %mul3A_90 = arith.constant 16384 : i32
      %mul3A_91 = arith.muli %add3A_89, %mul3A_90 : i32
      %add3A_92 = arith.addi %mul3A_4, %mul3A_91 : i32
      %dma_start3A_93 = tpu.memref_slice %arg4[%add3A_92] : memref<67108864xf32, #tpu.memory_space<hbm>> -> memref<16384xf32, #tpu.memory_space<hbm>>
      %dma_start3A_94 = tpu.memref_slice %arg4[%add3A_92] : memref<67108864xf32, #tpu.memory_space<hbm>> -> memref<16384xf32, #tpu.memory_space<hbm>>
      tpu.enqueue_dma source(%arg8 : memref<16384xf32, #tpu.memory_space<vmem>>) target(%dma_start3A_94 : memref<16384xf32, #tpu.memory_space<hbm>>) target_semaphore(%arg12 : memref<!tpu.dma_semaphore, #tpu.memory_space<semaphore_mem>>)
      %gt3A_95 = arith.constant 0 : i32
      %gt3A_96 = arith.cmpi sgt, %add3A_68, %gt3A_95 : i32
      %convert_element_type3A_97 = arith.extui %gt3A_96 : i1 to i32
      %cond3A_98 = arith.constant 0 : i32
      %cond3A_99 = arith.cmpi ne, %convert_element_type3A_97, %cond3A_98 : i32
      scf.if %cond3A_99 {
        %sub3A = arith.constant 1 : i32
        %sub3A_112 = arith.subi %add3A_68, %sub3A : i32
        %mul3A_113 = arith.constant 2 : i32
        %mul3A_114 = arith.muli %mul3A_113, %sub3A_112 : i32
        %add3A_115 = arith.constant 1 : i32
        %add3A_116 = arith.addi %mul3A_114, %add3A_115 : i32
        %mul3A_117 = arith.constant 16384 : i32
        %mul3A_118 = arith.muli %add3A_116, %mul3A_117 : i32
        %add3A_119 = arith.addi %mul3A_4, %mul3A_118 : i32
        %dma_wait3A_120 = tpu.memref_slice %arg4[%add3A_119] : memref<67108864xf32, #tpu.memory_space<hbm>> -> memref<16384xf32, #tpu.memory_space<hbm>>
        %dma_wait3A_121 = tpu.memref_slice %arg4[%add3A_119] : memref<67108864xf32, #tpu.memory_space<hbm>> -> memref<16384xf32, #tpu.memory_space<hbm>>
        tpu.wait_dma2 semaphore(%arg13 : memref<!tpu.dma_semaphore, #tpu.memory_space<semaphore_mem>>) src(%arg9 : memref<16384xf32, #tpu.memory_space<vmem>>) dst(%dma_wait3A_121 : memref<16384xf32, #tpu.memory_space<hbm>>)
      } else {
      }
      %parallel_loop3A_100 = arith.constant 0 : i32
      %parallel_loop3A_101 = arith.constant 128 : i32
      %parallel_loop3A_102 = arith.constant 1 : i32
      scf.for %parallel_loop3A_112 = %parallel_loop3A_100 to %parallel_loop3A_101 step %parallel_loop3A_102  : i32 {
        %parallel_loop3A_113 = arith.constant 3 : i32
        %parallel_loop3A_114 = arith.shrsi %parallel_loop3A_112, %parallel_loop3A_113 : i32
        %parallel_loop3A_115 = arith.constant 1024 : i32
        %parallel_loop3A_116 = arith.muli %parallel_loop3A_114, %parallel_loop3A_115 : i32
        %parallel_loop3A_117 = arith.constant 7 : i32
        %parallel_loop3A_118 = arith.andi %parallel_loop3A_112, %parallel_loop3A_117 : i32
        %parallel_loop3A_119 = arith.constant 16 : i32
        %parallel_loop3A_120 = arith.muli %parallel_loop3A_118, %parallel_loop3A_119 : i32
        %parallel_loop3A_121 = arith.addi %parallel_loop3A_116, %parallel_loop3A_120 : i32
        %parallel_loop3A_122 = arith.constant 16 : i32
        %parallel_loop3A_123 = arith.muli %parallel_loop3A_112, %parallel_loop3A_122 : i32
        %parallel_loop3A_124 = arith.index_cast %parallel_loop3A_123 : i32 to index
        %parallel_loop3A_125 = tpu.vector_load %arg5[%parallel_loop3A_124] {strides = array<i32>} : memref<2048xi32, #tpu.memory_space<vmem>>, vector<16xi32>,
        %parallel_loop3A_126 = arith.constant 16384 : i32
        %parallel_loop3A_127 = vector.broadcast %parallel_loop3A_126 : i32 to vector<16xi32>
        %parallel_loop3A_128 = arith.addi %parallel_loop3A_125, %parallel_loop3A_127 : vector<16xi32>
        %parallel_loop3A_129 = arith.constant 0 : i32
        %parallel_loop3A_130 = vector.broadcast %parallel_loop3A_129 : i32 to vector<16xi32>
        %parallel_loop3A_131 = arith.addi %parallel_loop3A_128, %parallel_loop3A_130 : vector<16xi32>
        %parallel_loop3A_132 = tpu.vector_load_idx %arg7[%parallel_loop3A_131] : memref<32768xf32, #tpu.memory_space<vmem>>[vector<16xi32>], vector<16xf32>,
        %parallel_loop3A_133 = arith.constant 0 : i32
        %parallel_loop3A_134 = arith.addi %parallel_loop3A_121, %parallel_loop3A_133 : i32
        %parallel_loop3A_135 = arith.index_cast %parallel_loop3A_134 : i32 to index
        %parallel_loop3A_136 = tpu.vector_load %arg9[%parallel_loop3A_135] {strides = array<i32>} : memref<16384xf32, #tpu.memory_space<vmem>>, vector<16xf32>,
        tpu.vector_store %arg9[%parallel_loop3A_135], %parallel_loop3A_132 {strides = array<i32>} : memref<16384xf32, #tpu.memory_space<vmem>>, vector<16xf32>,
        %parallel_loop3A_137 = arith.constant 128 : i32
        %parallel_loop3A_138 = vector.broadcast %parallel_loop3A_137 : i32 to vector<16xi32>
        %parallel_loop3A_139 = arith.addi %parallel_loop3A_128, %parallel_loop3A_138 : vector<16xi32>
        %parallel_loop3A_140 = tpu.vector_load_idx %arg7[%parallel_loop3A_139] : memref<32768xf32, #tpu.memory_space<vmem>>[vector<16xi32>], vector<16xf32>,
        %parallel_loop3A_141 = arith.constant 128 : i32
        %parallel_loop3A_142 = arith.addi %parallel_loop3A_121, %parallel_loop3A_141 : i32
        %parallel_loop3A_143 = arith.index_cast %parallel_loop3A_142 : i32 to index
        %parallel_loop3A_144 = tpu.vector_load %arg9[%parallel_loop3A_143] {strides = array<i32>} : memref<16384xf32, #tpu.memory_space<vmem>>, vector<16xf32>,
        tpu.vector_store %arg9[%parallel_loop3A_143], %parallel_loop3A_140 {strides = array<i32>} : memref<16384xf32, #tpu.memory_space<vmem>>, vector<16xf32>,
        %parallel_loop3A_145 = arith.constant 256 : i32
        %parallel_loop3A_146 = vector.broadcast %parallel_loop3A_145 : i32 to vector<16xi32>
        %parallel_loop3A_147 = arith.addi %parallel_loop3A_128, %parallel_loop3A_146 : vector<16xi32>
        %parallel_loop3A_148 = tpu.vector_load_idx %arg7[%parallel_loop3A_147] : memref<32768xf32, #tpu.memory_space<vmem>>[vector<16xi32>], vector<16xf32>,
        %parallel_loop3A_149 = arith.constant 256 : i32
        %parallel_loop3A_150 = arith.addi %parallel_loop3A_121, %parallel_loop3A_149 : i32
        %parallel_loop3A_151 = arith.index_cast %parallel_loop3A_150 : i32 to index
        %parallel_loop3A_152 = tpu.vector_load %arg9[%parallel_loop3A_151] {strides = array<i32>} : memref<16384xf32, #tpu.memory_space<vmem>>, vector<16xf32>,
        tpu.vector_store %arg9[%parallel_loop3A_151], %parallel_loop3A_148 {strides = array<i32>} : memref<16384xf32, #tpu.memory_space<vmem>>, vector<16xf32>,
        %parallel_loop3A_153 = arith.constant 384 : i32
        %parallel_loop3A_154 = vector.broadcast %parallel_loop3A_153 : i32 to vector<16xi32>
        %parallel_loop3A_155 = arith.addi %parallel_loop3A_128, %parallel_loop3A_154 : vector<16xi32>
        %parallel_loop3A_156 = tpu.vector_load_idx %arg7[%parallel_loop3A_155] : memref<32768xf32, #tpu.memory_space<vmem>>[vector<16xi32>], vector<16xf32>,
        %parallel_loop3A_157 = arith.constant 384 : i32
        %parallel_loop3A_158 = arith.addi %parallel_loop3A_121, %parallel_loop3A_157 : i32
        %parallel_loop3A_159 = arith.index_cast %parallel_loop3A_158 : i32 to index
        %parallel_loop3A_160 = tpu.vector_load %arg9[%parallel_loop3A_159] {strides = array<i32>} : memref<16384xf32, #tpu.memory_space<vmem>>, vector<16xf32>,
        tpu.vector_store %arg9[%parallel_loop3A_159], %parallel_loop3A_156 {strides = array<i32>} : memref<16384xf32, #tpu.memory_space<vmem>>, vector<16xf32>,
        %parallel_loop3A_161 = arith.constant 512 : i32
        %parallel_loop3A_162 = vector.broadcast %parallel_loop3A_161 : i32 to vector<16xi32>
        %parallel_loop3A_163 = arith.addi %parallel_loop3A_128, %parallel_loop3A_162 : vector<16xi32>
        %parallel_loop3A_164 = tpu.vector_load_idx %arg7[%parallel_loop3A_163] : memref<32768xf32, #tpu.memory_space<vmem>>[vector<16xi32>], vector<16xf32>,
        %parallel_loop3A_165 = arith.constant 512 : i32
        %parallel_loop3A_166 = arith.addi %parallel_loop3A_121, %parallel_loop3A_165 : i32
        %parallel_loop3A_167 = arith.index_cast %parallel_loop3A_166 : i32 to index
        %parallel_loop3A_168 = tpu.vector_load %arg9[%parallel_loop3A_167] {strides = array<i32>} : memref<16384xf32, #tpu.memory_space<vmem>>, vector<16xf32>,
        tpu.vector_store %arg9[%parallel_loop3A_167], %parallel_loop3A_164 {strides = array<i32>} : memref<16384xf32, #tpu.memory_space<vmem>>, vector<16xf32>,
        %parallel_loop3A_169 = arith.constant 640 : i32
        %parallel_loop3A_170 = vector.broadcast %parallel_loop3A_169 : i32 to vector<16xi32>
        %parallel_loop3A_171 = arith.addi %parallel_loop3A_128, %parallel_loop3A_170 : vector<16xi32>
        %parallel_loop3A_172 = tpu.vector_load_idx %arg7[%parallel_loop3A_171] : memref<32768xf32, #tpu.memory_space<vmem>>[vector<16xi32>], vector<16xf32>,
        %parallel_loop3A_173 = arith.constant 640 : i32
        %parallel_loop3A_174 = arith.addi %parallel_loop3A_121, %parallel_loop3A_173 : i32
        %parallel_loop3A_175 = arith.index_cast %parallel_loop3A_174 : i32 to index
        %parallel_loop3A_176 = tpu.vector_load %arg9[%parallel_loop3A_175] {strides = array<i32>} : memref<16384xf32, #tpu.memory_space<vmem>>, vector<16xf32>,
        tpu.vector_store %arg9[%parallel_loop3A_175], %parallel_loop3A_172 {strides = array<i32>} : memref<16384xf32, #tpu.memory_space<vmem>>, vector<16xf32>,
        %parallel_loop3A_177 = arith.constant 768 : i32
        %parallel_loop3A_178 = vector.broadcast %parallel_loop3A_177 : i32 to vector<16xi32>
        %parallel_loop3A_179 = arith.addi %parallel_loop3A_128, %parallel_loop3A_178 : vector<16xi32>
        %parallel_loop3A_180 = tpu.vector_load_idx %arg7[%parallel_loop3A_179] : memref<32768xf32, #tpu.memory_space<vmem>>[vector<16xi32>], vector<16xf32>,
        %parallel_loop3A_181 = arith.constant 768 : i32
        %parallel_loop3A_182 = arith.addi %parallel_loop3A_121, %parallel_loop3A_181 : i32
        %parallel_loop3A_183 = arith.index_cast %parallel_loop3A_182 : i32 to index
        %parallel_loop3A_184 = tpu.vector_load %arg9[%parallel_loop3A_183] {strides = array<i32>} : memref<16384xf32, #tpu.memory_space<vmem>>, vector<16xf32>,
        tpu.vector_store %arg9[%parallel_loop3A_183], %parallel_loop3A_180 {strides = array<i32>} : memref<16384xf32, #tpu.memory_space<vmem>>, vector<16xf32>,
        %parallel_loop3A_185 = arith.constant 896 : i32
        %parallel_loop3A_186 = vector.broadcast %parallel_loop3A_185 : i32 to vector<16xi32>
        %parallel_loop3A_187 = arith.addi %parallel_loop3A_128, %parallel_loop3A_186 : vector<16xi32>
        %parallel_loop3A_188 = tpu.vector_load_idx %arg7[%parallel_loop3A_187] : memref<32768xf32, #tpu.memory_space<vmem>>[vector<16xi32>], vector<16xf32>,
        %parallel_loop3A_189 = arith.constant 896 : i32
        %parallel_loop3A_190 = arith.addi %parallel_loop3A_121, %parallel_loop3A_189 : i32
        %parallel_loop3A_191 = arith.index_cast %parallel_loop3A_190 : i32 to index
        %parallel_loop3A_192 = tpu.vector_load %arg9[%parallel_loop3A_191] {strides = array<i32>} : memref<16384xf32, #tpu.memory_space<vmem>>, vector<16xf32>,
        tpu.vector_store %arg9[%parallel_loop3A_191], %parallel_loop3A_188 {strides = array<i32>} : memref<16384xf32, #tpu.memory_space<vmem>>, vector<16xf32>,
      } {sc.loop_unroll_factor = 2 : i64, sc.parallel_access}
      %mul3A_103 = arith.constant 2 : i32
      %mul3A_104 = arith.muli %mul3A_103, %add3A_68 : i32
      %add3A_105 = arith.constant 1 : i32
      %add3A_106 = arith.addi %mul3A_104, %add3A_105 : i32
      %mul3A_107 = arith.constant 16384 : i32
      %mul3A_108 = arith.muli %add3A_106, %mul3A_107 : i32
      %add3A_109 = arith.addi %mul3A_4, %mul3A_108 : i32
      %dma_start3A_110 = tpu.memref_slice %arg4[%add3A_109] : memref<67108864xf32, #tpu.memory_space<hbm>> -> memref<16384xf32, #tpu.memory_space<hbm>>
      %dma_start3A_111 = tpu.memref_slice %arg4[%add3A_109] : memref<67108864xf32, #tpu.memory_space<hbm>> -> memref<16384xf32, #tpu.memory_space<hbm>>
      tpu.enqueue_dma source(%arg9 : memref<16384xf32, #tpu.memory_space<vmem>>) target(%dma_start3A_111 : memref<16384xf32, #tpu.memory_space<hbm>>) target_semaphore(%arg13 : memref<!tpu.dma_semaphore, #tpu.memory_space<semaphore_mem>>)
    }
    %scan3A_12 = arith.constant 32 : i32
    %add3A_13 = arith.constant 2064384 : i32
    %add3A_14 = arith.addi %mul3A_4, %add3A_13 : i32
    %dma_wait3A = tpu.memref_slice %arg4[%add3A_14] : memref<67108864xf32, #tpu.memory_space<hbm>> -> memref<16384xf32, #tpu.memory_space<hbm>>
    %dma_wait3A_15 = tpu.memref_slice %arg4[%add3A_14] : memref<67108864xf32, #tpu.memory_space<hbm>> -> memref<16384xf32, #tpu.memory_space<hbm>>
    tpu.wait_dma2 semaphore(%arg12 : memref<!tpu.dma_semaphore, #tpu.memory_space<semaphore_mem>>) src(%arg8 : memref<16384xf32, #tpu.memory_space<vmem>>) dst(%dma_wait3A_15 : memref<16384xf32, #tpu.memory_space<hbm>>)
    %add3A_16 = arith.constant 2080768 : i32
    %add3A_17 = arith.addi %mul3A_4, %add3A_16 : i32
    %dma_wait3A_18 = tpu.memref_slice %arg4[%add3A_17] : memref<67108864xf32, #tpu.memory_space<hbm>> -> memref<16384xf32, #tpu.memory_space<hbm>>
    %dma_wait3A_19 = tpu.memref_slice %arg4[%add3A_17] : memref<67108864xf32, #tpu.memory_space<hbm>> -> memref<16384xf32, #tpu.memory_space<hbm>>
    tpu.wait_dma2 semaphore(%arg13 : memref<!tpu.dma_semaphore, #tpu.memory_space<semaphore_mem>>) src(%arg9 : memref<16384xf32, #tpu.memory_space<vmem>>) dst(%dma_wait3A_19 : memref<16384xf32, #tpu.memory_space<hbm>>)
    return
  }
}

</mosaic_0001>

<sc_bundles>
// kernel: kernel.3.cloned.1.call-start
scs
__scs_entry_jumppad:
0x0: {  	(pc) =	sbr.rel $0x88, $3  }
0x1: {  	(tag) =	ssettag $0x0;
	lr =	simm.s32 $0x1  }
0x2: {  	[smem:$0x3F9F] =	sst lr;
	_ =	strace $0xD0000000  }
0x3: {  	_ = 	snop  }
0x4: {  	_ = 	snop  }
0x5: {  	_ = 	snop  }
0x6: {  	_ = 	snop  }
0x7: {  	_ = 	snop  }
__scs_overlays_trampoline_lowered:
0x8: {  	[smem:$0x3FAE] =	sst s0  }
0x9: {  	[smem:$0x3FAF] =	sst s1  }
0xa: {  	[smem:$0x3FB0] =	sst s2  }
0xb: {  	[smem:$0x3FB1] =	sst s3  }
0xc: {  	[smem:$0x3FB2] =	sst s4  }
0xd: {  	[smem:$0x3FB3] =	sst s5  }
0xe: {  	[smem:$0x3FB4] =	sst s6  }
0xf: {  	[smem:$0x3FB5] =	sst s7  }
0x10: {  	[smem:$0x3FB6] =	sst s8  }
0x11: {  	[smem:$0x3FB7] =	sst s9;
	s0 =	simm.s32 @!p0 $0x0  }
0x12: {  	s1 =	sld [smem:$0x3F9D];
	s0 =	simm.s32 @p0 $0x1  }
0x13: {  	[smem:$0x3FB8] =	sst s0;
	s0 =	simm.s32 @!p1 $0x0  }
0x14: {  	s2 =	sld [smem:$0x3F9C];
	s0 =	simm.s32 @p1 $0x1  }
0x15: {  	[smem:$0x3FB9] =	sst s0;
	s0 =	simm.s32 @!p2 $0x0  }
0x16: {  	s3 =	sld [smem:$0x3FDB];
	s0 =	simm.s32 @p2 $0x1  }
0x17: {  	s4 =	simm.s32 $0x1BF5;
	[smem:$0x3FBB] =	sst s0  }
0x18: {  	s0 =	sld [smem:$0x3F9E];
	_ =	swait.ge [sflag:s4], $0x0  }
0x19: {  	s7 =	sld [smem:$0x3F9F]  }
0x1a: {  	s8 =	sadd.s32 $0xFFFFE003, lr  }
0x1b: {  	s9 =	sadd.s32 $0xFFFFFEF7, lr;
	s5 =	simm.s32 $0xFFFFFFFF;
	p2 =	slt.u32 s8, $0xFFFFF086  }
0x1c: {  	p1 =	slt.u32 s9, $0xF7A;
	s5 =	simm.s32 @!p2 $0x0  }
0x1d: {  	s5 =	simm.s32 @p1 $0x1;
	p0 =	seq.s32 s7, s2  }
0x1e: {  	s7 =	smul.u32 @!p0 $0xF7A, s2;
	p2 =	seq.s32 @!p0 s5, $0x0  }
0x1f: {  	s9 =	smul.u32 $0xF7A, s1;
	s8 =	simm.s32 @!p0 $0x1BF5;
	p2 =	por !p2, p0  }
0x20: {  	[sflag:s8] =	ssyncset.s32 @!p0 $0xFFFFF086;
	s6 =	sadd.s32 @!p0 s3, s7;
	s7 =	simm.s32 @!p0 $0x108  }
0x21: {  	s3 =	sadd.s32 s3, s9;
	s6 =	sadd.s32 @!p0 $0x88, s6;
	s7 =	simm.s32 @p2 $0x1082  }
0x22: {  	[simem:s7], [sflag:s8] =	dma.local @!p0 [hbm:s6], $0xF7A  }
0x23: {  	s9 =	sor.u32 $0xD0000000, s2;
	s6 =	simm.s32 $0x108;
	_ =	swait.ge @!p0 [sflag:s8], $0x0  }
0x24: {  	s3 =	sadd.s32 $0x88, s3;
	s6 =	simm.s32 @!p1 $0x1082;
	[sflag:s4] =	ssyncset.s32 $0xFFFFF086  }
0x25: {  	[simem:s6], [sflag:s4] =	dma.local [hbm:s3], $0xF7A  }
0x26: {  	[smem:$0x3F9F] =	sst s1;
	(tag) =	ssettag s2;
	_ =	strace s9  }
0x27: {  	s1 =	sld [smem:$0x3FAF]  }
0x28: {  	s2 =	sld [smem:$0x3FB0]  }
0x29: {  	s4 =	sld [smem:$0x3FB2]  }
0x2a: {  	p0 =	seq.s32 s5, $0x0;
	s5 =	sld [smem:$0x3FB3]  }
0x2b: {  	s6 =	sld [smem:$0x3FB4]  }
0x2c: {  	s7 =	sld [smem:$0x3FB5]  }
0x2d: {  	s3 =	simm.s32 $0x108;
	s8 =	sld [smem:$0x3FB6]  }
0x2e: {  	s3 =	simm.s32 @!p0 $0x1082;
	s9 =	sld [smem:$0x3FB7]  }
0x2f: {  	lr =	sadd.s32 s0, s3;
	s0 =	sld [smem:$0x3FAE]  }
0x30: {  	s3 =	sld [smem:$0x3FB1]  }
0x31: {  	[smem:$0x3FBA] =	sst s10  }
0x32: {  	s10 =	sld [smem:$0x3FB8];
	_ =	sdelay $0x3  }
0x33: {  	p0 =	seq.s32 s10, $0x1;
	s10 =	sld [smem:$0x3FBA];
	_ =	sdelay $0x3  }
0x34: {  	[smem:$0x3FBA] =	sst s10  }
0x35: {  	s10 =	sld [smem:$0x3FB9];
	_ =	sdelay $0x3  }
0x36: {  	p1 =	seq.s32 s10, $0x1;
	s10 =	sld [smem:$0x3FBA];
	_ =	sdelay $0x3  }
0x37: {  	[smem:$0x3FBA] =	sst s10  }
0x38: {  	s10 =	sld [smem:$0x3FBB]  }
0x39: {  	_ = 	snop;
	(pc) =	sbr.ind lr, $3  }
0x3a: {  	_ = 	snop  }
0x3b: {  	_ = 	snop  }
0x3c: {  	p2 =	seq.s32 s10, $0x1;
	s10 =	sld [smem:$0x3FBA]  }
0x3d: {  	_ =	shalt  }
0x3e: {  	_ =	shalt  }
0x3f: {  	_ =	shalt  }
0x40: {  	_ =	shalt  }
0x41: {  	_ =	shalt  }
0x42: {  	_ =	shalt  }
0x43: {  	_ =	shalt  }
0x44: {  	_ =	shalt  }
0x45: {  	_ =	shalt  }
0x46: {  	_ =	shalt  }
0x47: {  	_ =	shalt  }
0x48: {  	_ =	shalt  }
0x49: {  	_ =	shalt  }
0x4a: {  	_ =	shalt  }
0x4b: {  	_ =	shalt  }
0x4c: {  	_ =	shalt  }
0x4d: {  	_ =	shalt  }
0x4e: {  	_ =	shalt  }
0x4f: {  	_ =	shalt  }
0x50: {  	_ =	shalt  }
0x51: {  	_ =	shalt  }
0x52: {  	_ =	shalt  }
0x53: {  	_ =	shalt  }
0x54: {  	_ =	shalt  }
0x55: {  	_ =	shalt  }
0x56: {  	_ =	shalt  }
0x57: {  	_ =	shalt  }
0x58: {  	_ =	shalt  }
0x59: {  	_ =	shalt  }
0x5a: {  	_ =	shalt  }
0x5b: {  	_ =	shalt  }
0x5c: {  	_ =	shalt  }
0x5d: {  	_ =	shalt  }
0x5e: {  	_ =	shalt  }
0x5f: {  	_ =	shalt  }
0x60: {  	_ =	shalt  }
0x61: {  	_ =	shalt  }
0x62: {  	_ =	shalt  }
0x63: {  	_ =	shalt  }
0x64: {  	_ =	shalt  }
0x65: {  	_ =	shalt  }
0x66: {  	_ =	shalt  }
0x67: {  	_ =	shalt  }
0x68: {  	_ =	shalt  }
0x69: {  	_ =	shalt  }
0x6a: {  	_ =	shalt  }
0x6b: {  	_ =	shalt  }
0x6c: {  	_ =	shalt  }
0x6d: {  	_ =	shalt  }
0x6e: {  	_ =	shalt  }
0x6f: {  	_ =	shalt  }
0x70: {  	_ =	shalt  }
0x71: {  	_ =	shalt  }
0x72: {  	_ =	shalt  }
0x73: {  	_ =	shalt  }
0x74: {  	_ =	shalt  }
0x75: {  	_ =	shalt  }
0x76: {  	_ =	shalt  }
0x77: {  	_ =	shalt  }
0x78: {  	_ =	shalt  }
0x79: {  	_ =	shalt  }
0x7a: {  	_ =	shalt  }
0x7b: {  	_ =	shalt  }
0x7c: {  	_ =	shalt  }
0x7d: {  	_ =	shalt  }
0x7e: {  	_ =	shalt  }
0x7f: {  	_ =	shalt  }
0x80: {  	_ =	shalt  }
0x81: {  	_ =	shalt  }
0x82: {  	_ =	shalt  }
0x83: {  	_ =	shalt  }
0x84: {  	_ =	shalt  }
0x85: {  	_ =	shalt  }
0x86: {  	_ =	shalt  }
0x87: {  	_ =	shalt  }
.Lfunc_end0:
.L_simem_size_0:
called_computation_lowered:
.L_overlay_start_0:
0x88: {  	s2 =	sld [smem:$0x3FD9]  }
0x89: {  	s3 =	sld [smem:$0x3FFE];
	_ =	sdelay $0x1  }
0x8a: {  	s1 =	srdreg.scid  }
0x8b: {  	s0 =	sand.u32 $0x1, s1  }
0x8c: {  	s17 =	sshll.u32 s0, $0xA;
	s2 =	sadd.s32 s3, s2  }
0x8d: {  	s2 =	sadd.s32 s2, s17  }
0x8e: {  	[smem:$0x3FC6] =	sst s2  }
0x8f: {  	_ = 	snop  }
0x90: {  	s2 =	sld [smem:$0x3FC9]  }
0x91: {  	s18 =	sld [smem:$0x3FD0];
	(tm) =	ssettm $0x1  }
0x92: {  	s4 =	sld [smem:$0x3FFB];
	_ =	sdelay $0x3  }
0x93: {  	_ =	strace s4  }
0x94: {  	s4 =	sld [smem:$0x3FFC];
	_ =	sdelay $0x3  }
0x95: {  	_ =	strace s4  }
0x96: {  	s4 =	sld [smem:$0x3FFD];
	_ =	sdelay $0x3  }
0x97: {  	_ =	strace s4  }
0x98: {  	_ =	strace $0x8FFFFFFF  }
0x99: {  	s19 =	sld [smem:$0x3FDB];
	_ =	sdelay $0x1  }
0x9a: {  	s5 =	simm.s32 $_scs_section_size  }
0x9b: {  	s6 =	simm.s32 $_size__tile_overlayer_lowered;
	s7 =	simm.s32 $_tile_overlayer_lowered  }
0x9c: {  	s22 =	simm.s32 $0x1BFF;
	s21 =	sshll.u32 s7, $0x1;
	s4 =	sadd.s32 s5, s19  }
0x9d: {  	s8 =	simm.s32 $0x0;
	s20 =	sshll.u32 s6, $0x1;
	s6 =	sadd.s32 s21, s4  }
0x9e: {  	[timem:s8], [sflag:s22] =	dma.local [hbm:s6], s20  }
0x9f: {  	_ =	swait.ge [sflag:s22], s20  }
0xa0: {  	s5 =	ssub.s32 $0x0, s20;
	[sflag:s22] =	ssyncset.done $0x0  }
0xa1: {  	[sflag:s22] =	ssyncadd.s32 s5;
	_ =	sdelay $0x1  }
0xa2: {  	s23 =	simm.s32 $0x1B8B  }
0xa3: {  	_ =	swait.ge [sflag:s23], $0x1  }
0xa4: {  	[sflag:s23] =	ssyncset.done $0x0  }
0xa5: {  	s25 =	simm.s32 $0x1B8E;
	s24 =	sld [smem:$0x3FFE];
	[sflag:s23] =	ssyncadd.s32 $0xFFFFFFFF  }
0xa6: {  	s26 =	simm.s32 $execute0_lowered;
	[smem:$0x3FD2] =	sst s25  }
0xa7: {  	s6 =	sshll.u32 s26, $0x1;
	_ =	strace $0x80000046;
	[dreg:$0x1] =	wrdreg $0xFFFFFFFF  }
0xa8: {  	s28 =	simm.s32 $_size_execute0_lowered;
	s4 =	sadd.s32 s4, s6;
	[dreg:$0x0] =	wrdreg $0x0  }
0xa9: {  	s6 =	sshll.u32 s28, $0x1;
	[dreg:$0x2] =	wrdreg s4  }
0xaa: {  	[dreg:$0x3] =	wrdreg s6  }
0xab: {  	[dreg:$0x4] =	wrdreg $0xC0  }
0xac: {  	_ =	task [dreg:s8], $0x5FFFF  }
0xad: {  	[dreg:$0x1] =	wrdreg $0xFFFFFFFF  }
0xae: {  	[dreg:$0x0] =	wrdreg $0x60  }
0xaf: {  	[dreg:$0x2] =	wrdreg s2  }
0xb0: {  	[dreg:$0x3] =	wrdreg s24  }
0xb1: {  	[dreg:$0x4] =	wrdreg s18  }
0xb2: {  	[dreg:$0x5] =	wrdreg $0x9  }
0xb3: {  	_ =	task.clear_ibuf [dreg:s8], $0x6FFFF;
	_ =	strace $0x90000046  }
0xb4: {  	s29 =	simm.s32 $0x9;
	_ =	strace $0x80000048  }
0xb5: {  	_ =	swait.ge [sflag:s29], $0x1  }
0xb6: {  	[sflag:s29] =	ssyncadd.s32 $0xFFFFFFFF  }
0xb7: {  	_ =	strace $0x90000048  }
0xb8: {  	_ =	sfence  }
0xb9: {  	s30 =	sld [smem:$0x0];
	_ =	sdelay $0x2  }
0xba: {  	s31 =	sshll.u32 s1, $0xD;
	s1 =	sshrl.u32 s1, $0x2  }
0xbb: {  	s3 =	sand.u32 $0x4000, s31;
	s1 =	sadd.s32 s1, s30  }
0xbc: {  	s0 =	sor.u32 s3, s0;
	s1 =	sshll.u32 s1, $0x11  }
0xbd: {  	s0 =	sor.u32 s1, s0  }
0xbe: {  	s0 =	sadd.s32 $0x8F2B, s0  }
0xbf: {  	[sflag:s0] =	ssyncadd.remote.s32 $0x1  }
0xc0: {  	_ =	sfence.sel $0xFFFF  }
0xc1: {  	[dreg:$0x0] =	wrdreg $0xFFFFFFFF;
	(pc) =	sbr.abs _section_cstart, $3  }
0xc2: {  	[dreg:$0x1] =	wrdreg $0xFFFFFFFF  }
0xc3: {  	_ =	task.clear_ibuf [dreg:s8], $0x2FFFF;
	_ =	strace $0x9FFFFFFF  }
0xc4: {  	(tm) =	ssettm $0x7FFFFFFF  }
0xc5: {  	_ =	shalt  }
tec
execute0_lowered:
.L_overlay_start_1:
0x0: {  	(tag) =	ssettag $0x1  }
0x1: {  	s31 =	rddreg [dreg:$0x0]  }
0x2: {  	s0 =	rddreg [dreg:$0x1];
	s1 =	srdreg.scid  }
0x3: {  	s2 =	stileid.u32;
	s4 =	simm.s32 $0x0;
	s1 =	sand.u32 $0x1, s1  }
0x4: {  	s2 =	sshll.u32 s2, $0x16;
	[smem:$0x7FF] =	sst s4;
	s0 =	sadd.s32 $0x400, s0  }
0x5: {  	s3 =	sshll.u32 s1, $0x15;
	s1 =	ssub.s32 $0x2, s1;
	_ =	strace $0x80000047  }
0x6: {  	[dreg:$0x5] =	wrdreg s0;
	s5 =	sor.u32 s3, s2;
	s26 =	sshrl.u32 s1, $0x1  }
0x7: {  	s3 =	sshrl.u32 s5, $0x3;
	[dreg:$0x4] =	wrdreg s5;
	s30 =	sor.u32 $0x10000, s5  }
0x8: {  	s28 =	ssub.s32 s1, s26;
	s29 =	sadd.s32 s31, s3;
	[dreg:$0x7] =	wrdreg s30  }
0x9: {  	s11 =	simm.s32 $0x800;
	s0 =	smax.u32 s28, $0x1;
	[dreg:$0x6] =	wrdreg s29  }
0xa: {  	s12 =	simm.s32 $0x8800;
	s2 =	simm.s32 $0x0;
	[dreg:$0x8] =	wrdreg s0  }
.LBB2_1:
0xb: {  	[dreg:$0x9] =	wrdreg s2  }
0xc: {  	s0 =	rddreg [dreg:$0x5];
	s29 =	simm.s32 $0x5  }
0xd: {  	[tilespmem:s4], [sflag:$0x5] =	stream.linear.gather [hbm4b:s0+s4], $0x800, $0x38;
	[tilespmem:$0x18800] =	vst v63  }
0xe: {  	_ =	swait.ge [sflag:s29], $0x800  }
0xf: {  	[sflag:s29] =	ssyncset.done $0x0  }
0x10: {  	s20 =	simm.s32 $0x0;
	s30 =	rddreg [dreg:$0x6];
	[sflag:s29] =	ssyncadd.s32 $0xFFFFF800  }
0x11: {  	[tilespmem:s11], [sflag:$0x1] =	stream.linear.gather [hbm4b:s30+s4], $0x8000, $0x38;
	[tilespmem:$0x18800] =	vst v63  }
.LBB2_2:
0x12: {  	s22 =	sshll.u32 s20, $0x10;
	s0 =	rddreg [dreg:$0x4]  }
0x13: {  	s0 =	sor.u32 s22, s0  }
0x14: {  	s23 =	sshrl.u32 s0, $0x3  }
0x15: {  	s21 =	sor.u32 $0x1000, s23  }
0x16: {  	s25 =	simm.s32 $0x1;
	s24 =	sadd.s32 s31, s21  }
0x17: {  	[tilespmem:s12], [sflag:$0x2] =	stream.linear.gather [hbm4b:s24+s4], $0x8000, $0x38;
	[tilespmem:$0x18800] =	vst v63  }
0x18: {  	_ =	swait.ge [sflag:s25], $0x8000  }
0x19: {  	p0 =	seq.s32 s20, $0x0;
	[sflag:s25] =	ssyncset.done $0x0  }
0x1a: {  	s0 =	simm.s32 @!p0 $0x3;
	[sflag:s25] =	ssyncadd.s32 $0xFFFF8000  }
0x1b: {  	_ =	swait.ge @!p0 [sflag:s0], $0x4000  }
0x1c: {  	[sflag:s0] =	ssyncset.done @!p0 $0x0  }
0x1d: {  	s24 =	simm.s32 $0x10;
	[sflag:s0] =	ssyncadd.s32 @!p0 $0xFFFFC000  }
0x1e: {  	v1 =	vld [tilespmem:s24+$0x0]  }
0x1f: {  	v3 =	vld [tilespmem:s24+$0xFFFFFFF0];
	_ =	sdelay $0x6  }
0x20: {  	v0 =	vld.idx.msk [tilespmem:v1+s11+$0x0], $0xffff  }
0x21: {  	s26 =	simm.s32 $0x0;
	v4 =	vadd.s32 $0x80, v1;
	v2 =	vld.idx.msk [tilespmem:v3+s11+$0x0], $0xffff  }
0x22: {  	s1 =	sand.u32 $0x3C00, s26;
	v5 =	vadd.s32 $0x80, v3  }
0x23: {  	s2 =	simm.s32 $0x0;
	s1 =	sadd.s32 $0x10800, s1;
	s3 =	sand.u32 $0x70, s24  }
0x24: {  	s7 =	simm.s32 $0x30;
	s2 =	sand.u32 $0x60, s2;
	s3 =	sor.u32 s3, s1  }
0x25: {  	s5 =	sor.u32 s2, s1;
	v7 =	vld [tilespmem:s7+$0x0];
	[tilespmem:s3+$0x0] =	vst v0  }
0x26: {  	[tilespmem:s5+$0x0] =	vst v2;
	v0 =	vld.idx.msk [tilespmem:v4+s11+$0x0], $0xffff  }
0x27: {  	v4 =	vld.idx.msk [tilespmem:v5+s11+$0x0], $0xffff;
	v5 =	vadd.s32 $0x100, v1  }
0x28: {  	v6 =	vadd.s32 $0x100, v3;
	v2 =	vld [tilespmem:s7+$0xFFFFFFF0];
	_ =	sdelay $0x2  }
0x29: {  	[tilespmem:s3+$0x80] =	vst v0  }
0x2a: {  	[tilespmem:s5+$0x80] =	vst v4;
	v0 =	vld.idx.msk [tilespmem:v5+s11+$0x0], $0xffff  }
0x2b: {  	v4 =	vadd.s32 $0x180, v1;
	v5 =	vld.idx.msk [tilespmem:v6+s11+$0x0], $0xffff  }
0x2c: {  	v8 =	vld.idx.msk [tilespmem:v7+s11+$0x0], $0xffff;
	v6 =	vadd.s32 $0x180, v3  }
0x2d: {  	s8 =	simm.s32 $0x100;
	v10 =	vadd.s32 $0x80, v7  }
0x2e: {  	s2 =	sand.u32 $0x3C00, s8;
	v9 =	vld.idx.msk [tilespmem:v2+s11+$0x0], $0xffff  }
0x2f: {  	s2 =	sadd.s32 $0x10800, s2;
	s1 =	sand.u32 $0x70, s7;
	v11 =	vadd.s32 $0x80, v2;
	[tilespmem:s3+$0x100] =	vst v0  }
0x30: {  	s6 =	simm.s32 $0x20;
	s1 =	sor.u32 s1, s2;
	[tilespmem:s5+$0x100] =	vst v5;
	v4 =	vld.idx.msk [tilespmem:v4+s11+$0x0], $0xffff  }
0x31: {  	s6 =	sand.u32 $0x60, s6;
	[tilespmem:s1+$0x0] =	vst v8;
	v5 =	vadd.s32 $0x200, v1;
	v6 =	vld.idx.msk [tilespmem:v6+s11+$0x0], $0xffff  }
0x32: {  	s9 =	simm.s32 $0x50;
	s19 =	sor.u32 s6, s2;
	v8 =	vld.idx.msk [tilespmem:v10+s11+$0x0], $0xffff;
	v10 =	vadd.s32 $0x200, v3  }
0x33: {  	v12 =	vld [tilespmem:s9+$0xFFFFFFF0];
	[tilespmem:s19+$0x0] =	vst v9  }
0x34: {  	v9 =	vld.idx.msk [tilespmem:v11+s11+$0x0], $0xffff  }
0x35: {  	v0 =	vld [tilespmem:s9+$0x0];
	v11 =	vadd.s32 $0x100, v2;
	[tilespmem:s3+$0x180] =	vst v4  }
0x36: {  	v4 =	vadd.s32 $0x100, v7;
	[tilespmem:s5+$0x180] =	vst v6;
	v5 =	vld.idx.msk [tilespmem:v5+s11+$0x0], $0xffff  }
0x37: {  	v6 =	vld.idx.msk [tilespmem:v10+s11+$0x0], $0xffff  }
0x38: {  	v13 =	vadd.s32 $0x280, v1  }
0x39: {  	[tilespmem:s19+$0x80] =	vst v9  }
0x3a: {  	[tilespmem:s1+$0x80] =	vst v8;
	v9 =	vld.idx.msk [tilespmem:v11+s11+$0x0], $0xffff  }
0x3b: {  	s10 =	simm.s32 $0x200;
	v8 =	vadd.s32 $0x280, v3;
	v4 =	vld.idx.msk [tilespmem:v4+s11+$0x0], $0xffff;
	[tilespmem:s3+$0x200] =	vst v5  }
0x3c: {  	s6 =	sand.u32 $0x3C00, s10;
	s7 =	simm.s32 $0x40;
	v10 =	vadd.s32 $0x180, v7;
	[tilespmem:s5+$0x200] =	vst v6;
	v6 =	vld.idx.msk [tilespmem:v12+s11+$0x0], $0xffff  }
0x3d: {  	s6 =	sadd.s32 $0x10800, s6;
	s7 =	sand.u32 $0x60, s7;
	v5 =	vadd.s32 $0x180, v2;
	v11 =	vld.idx.msk [tilespmem:v13+s11+$0x0], $0xffff  }
0x3e: {  	v16 =	vadd.s32 $0x80, v12;
	s25 =	sor.u32 s7, s6;
	s7 =	simm.s32 $0x70;
	v13 =	vld.idx.msk [tilespmem:v0+s11+$0x0], $0xffff  }
0x3f: {  	v14 =	vadd.s32 $0x300, v1;
	v19 =	vld [tilespmem:s7+$0xFFFFFFF0];
	[tilespmem:s19+$0x100] =	vst v9  }
0x40: {  	v15 =	vadd.s32 $0x80, v0;
	[tilespmem:s1+$0x100] =	vst v4;
	v4 =	vld.idx.msk [tilespmem:v8+s11+$0x0], $0xffff  }
0x41: {  	s2 =	sand.u32 $0x70, s9;
	v8 =	vld.idx.msk [tilespmem:v10+s11+$0x0], $0xffff;
	[tilespmem:s25+$0x0] =	vst v6  }
0x42: {  	s2 =	sor.u32 s2, s6;
	v5 =	vld.idx.msk [tilespmem:v5+s11+$0x0], $0xffff;
	[tilespmem:s3+$0x280] =	vst v11  }
0x43: {  	v9 =	vadd.s32 $0x200, v7;
	[tilespmem:s2+$0x0] =	vst v13;
	v13 =	vld.idx.msk [tilespmem:v16+s11+$0x0], $0xffff  }
0x44: {  	v11 =	vadd.s32 $0x200, v2;
	v10 =	vld.idx.msk [tilespmem:v14+s11+$0x0], $0xffff  }
0x45: {  	s13 =	sand.u32 $0x7, s26;
	v6 =	vld.idx.msk [tilespmem:v15+s11+$0x0], $0xffff;
	v14 =	vadd.s32 $0x380, v1  }
0x46: {  	s3 =	sshll.u32 s13, $0x4;
	v1 =	vld [tilespmem:s7+$0x0];
	v15 =	vadd.s32 $0x100, v0  }
0x47: {  	v20 =	vld.idx.msk [tilespmem:v19+s11+$0x0], $0xffff;
	s3 =	sadd.s32 $0x10, s3;
	[tilespmem:s1+$0x180] =	vst v8;
	v8 =	vadd.s32 $0x100, v12  }
0x48: {  	v16 =	vadd.s32 $0x300, v3;
	s14 =	sor.u32 $0x300, s3;
	[tilespmem:s19+$0x180] =	vst v5;
	v9 =	vld.idx.msk [tilespmem:v9+s11+$0x0], $0xffff  }
0x49: {  	v5 =	vld.idx.msk [tilespmem:v11+s11+$0x0], $0xffff;
	[tilespmem:s14+$0x10800] =	vst v10  }
0x4a: {  	v11 =	vadd.s32 $0x280, v7;
	[tilespmem:s2+$0x80] =	vst v6;
	v6 =	vld.idx.msk [tilespmem:v14+s11+$0x0], $0xffff  }
0x4b: {  	s0 =	sand.u32 $0x3, s26;
	[tilespmem:s25+$0x80] =	vst v13;
	v13 =	vadd.s32 $0x280, v2;
	v10 =	vld.idx.msk [tilespmem:v15+s11+$0x0], $0xffff  }
0x4c: {  	s18 =	smov.u32 s31;
	s15 =	simm.s32 $0x1;
	s0 =	sshll.u32 s0, $0x5;
	[tilespmem:s5+$0x280] =	vst v4;
	v4 =	vld.idx.msk [tilespmem:v8+s11+$0x0], $0xffff;
	v8 =	vadd.s32 $0x180, v0  }
0x4d: {  	s17 =	simm.s32 $0x2;
	s0 =	sadd.s32 $0x0, s0;
	s6 =	sand.u32 $0x3, s15;
	v14 =	vadd.s32 $0x180, v12;
	[tilespmem:s1+$0x200] =	vst v9;
	v9 =	vld.idx.msk [tilespmem:v16+s11+$0x0], $0xffff  }
0x4e: {  	s16 =	sshll.u32 s6, $0x5;
	s6 =	sand.u32 $0x3, s17;
	v3 =	vadd.s32 $0x380, v3;
	s3 =	sor.u32 $0x380, s3;
	v15 =	vld.idx.msk [tilespmem:v1+s11+$0x0], $0xffff;
	[tilespmem:s19+$0x200] =	vst v5  }
0x4f: {  	s10 =	simm.s32 $0x300;
	s29 =	sor.u32 $0x380, s0;
	s6 =	sshll.u32 s6, $0x5;
	v11 =	vld.idx.msk [tilespmem:v11+s11+$0x0], $0xffff;
	[tilespmem:s3+$0x10800] =	vst v6  }
0x50: {  	v21 =	vadd.s32 $0x300, v7;
	s15 =	sand.u32 $0x70, s7;
	s26 =	sadd.s32 $0x200, s6;
	s13 =	sand.u32 $0x3C00, s10;
	v22 =	vadd.s32 $0x80, v1;
	v23 =	vld.idx.msk [tilespmem:v13+s11+$0x0], $0xffff;
	[tilespmem:s2+$0x100] =	vst v10  }
0x51: {  	v24 =	vadd.s32 $0x80, v19;
	s9 =	simm.s32 $0x3;
	s13 =	sadd.s32 $0x10800, s13;
	s5 =	sor.u32 $0x300, s0;
	v13 =	vadd.s32 $0x180, v19;
	v10 =	vadd.s32 $0x200, v12;
	[tilespmem:s25+$0x100] =	vst v4;
	v17 =	vld.idx.msk [tilespmem:v8+s11+$0x0], $0xffff  }
0x52: {  	s8 =	sand.u32 $0x3, s9;
	s15 =	sor.u32 s15, s13;
	s14 =	simm.s32 $0x60;
	v6 =	vadd.s32 $0x300, v12;
	v8 =	vadd.s32 $0x300, v19;
	v4 =	vadd.s32 $0x380, v19;
	v18 =	vld.idx.msk [tilespmem:v14+s11+$0x0], $0xffff;
	[tilespmem:s5+$0x10800] =	vst v9  }
0x53: {  	s8 =	sshll.u32 s8, $0x5;
	s0 =	sadd.s32 $0x100, s16;
	s16 =	sand.u32 $0x60, s14;
	[tilespmem:s15+$0x0] =	vst v15;
	v9 =	vadd.s32 $0x280, v12;
	v14 =	vadd.s32 $0x200, v19;
	v16 =	vld.idx.msk [tilespmem:v3+s11+$0x0], $0xffff;
	v3 =	vadd.s32 $0x380, v12  }
0x54: {  	s6 =	sor.u32 $0x300, s26;
	s17 =	sadd.s32 $0x300, s8;
	s31 =	sor.u32 s16, s13;
	[tilespmem:s1+$0x280] =	vst v11;
	v12 =	vadd.s32 $0x100, v19;
	v11 =	vadd.s32 $0x280, v19;
	v19 =	vadd.s32 $0x200, v0  }
0x55: {  	s26 =	sor.u32 $0x380, s26;
	s8 =	simm.s32 $0x6;
	s30 =	sor.u32 $0x300, s17;
	[tilespmem:s31+$0x0] =	vst v20;
	v20 =	vld.idx.msk [tilespmem:v22+s11+$0x0], $0xffff  }
0x56: {  	s28 =	sor.u32 $0x300, s0;
	s0 =	sor.u32 $0x380, s0;
	s1 =	simm.s32 $0x2;
	v15 =	vld.idx.msk [tilespmem:v21+s11+$0x0], $0xffff  }
0x57: {  	v7 =	vadd.s32 $0x380, v7;
	s14 =	simm.s32 $0x90;
	v5 =	vadd.s32 $0x300, v2;
	v2 =	vadd.s32 $0x380, v2;
	s5 =	sor.u32 $0x380, s17;
	[tilespmem:s19+$0x280] =	vst v23;
	v21 =	vld.idx.msk [tilespmem:v24+s11+$0x0], $0xffff;
	s13 =	sand.u32 $0x7, s1  }
.LBB2_3:
0x58: {  	v22 =	vld [tilespmem:s14+$0x0];
	v23 =	vadd.s32 $0x100, v1;
	[tilespmem:s2+$0x180] =	vst v17;
	s13 =	sshll.u32 s13, $0x4;
	s24 =	sadd.s32 $0x100, s24;
	s3 =	smov.u32 s15  }
0x59: {  	s8 =	sadd.s32 $0x2, s8;
	s19 =	smov.u32 s25;
	[tilespmem:s25+$0x180] =	vst v18;
	v17 =	vld.idx.msk [tilespmem:v19+s11+$0x0], $0xffff;
	s13 =	sadd.s32 s13, s24  }
0x5a: {  	p1 =	slt.u32 s8, $0x7E;
	s25 =	smov.u32 s31;
	v18 =	vld [tilespmem:s14+$0xFFFFFFF0];
	s15 =	sor.u32 $0x300, s13;
	[tilespmem:s29+$0x10800] =	vst v16  }
0x5b: {  	v19 =	vadd.s32 $0x280, v0;
	s29 =	smov.u32 s0;
	s0 =	smov.u32 s26;
	s26 =	smov.u32 s5;
	v16 =	vld.idx.msk [tilespmem:v10+s11+$0x0], $0xffff;
	[tilespmem:s15+$0x10800] =	vst v15;
	v10 =	vmov v14  }
0x5c: {  	[tilespmem:s3+$0x80] =	vst v20;
	v7 =	vld.idx.msk [tilespmem:v7+s11+$0x0], $0xffff  }
0x5d: {  	[tilespmem:s25+$0x80] =	vst v21;
	v15 =	vld.idx.msk [tilespmem:v23+s11+$0x0], $0xffff  }
0x5e: {  	v20 =	vld.idx.msk [tilespmem:v12+s11+$0x0], $0xffff  }
0x5f: {  	v23 =	vadd.s32 $0x180, v1;
	v21 =	vadd.s32 $0x80, v18;
	v12 =	vadd.s32 $0x100, v18;
	[tilespmem:s2+$0x200] =	vst v17;
	v24 =	vld.idx.msk [tilespmem:v5+s11+$0x0], $0xffff;
	v5 =	vmovc v6;
	v6 =	vmovc v8  }
0x60: {  	v25 =	vadd.s32 $0x180, v18;
	v14 =	vadd.s32 $0x200, v18;
	v17 =	vadd.s32 $0x280, v18;
	v26 =	vld.idx.msk [tilespmem:v19+s11+$0x0], $0xffff  }
0x61: {  	s9 =	sadd.s32 $0x1, s9;
	s5 =	sor.u32 $0x380, s13;
	v8 =	vadd.s32 $0x300, v18;
	v27 =	vadd.s32 $0x380, v18;
	v28 =	vld.idx.msk [tilespmem:v22+s11+$0x0], $0xffff;
	[tilespmem:s19+$0x200] =	vst v16  }
0x62: {  	v30 =	vadd.s32 $0x300, v0;
	s13 =	sand.u32 $0x3, s9;
	v29 =	vld.idx.msk [tilespmem:v18+s11+$0x0], $0xffff;
	[tilespmem:s5+$0x10800] =	vst v7  }
0x63: {  	s10 =	sadd.s32 $0x100, s10;
	s7 =	sadd.s32 $0x20, s7;
	s5 =	sshll.u32 s13, $0x5;
	v7 =	vadd.s32 $0x80, v22;
	[tilespmem:s3+$0x100] =	vst v15;
	v31 =	vld.idx.msk [tilespmem:v9+s11+$0x0], $0xffff;
	v9 =	vmov v11;
	v11 =	vmov v17  }
0x64: {  	s31 =	sand.u32 $0x70, s7;
	s13 =	sand.u32 $0x3C00, s10;
	s5 =	sadd.s32 s5, s10;
	[tilespmem:s25+$0x100] =	vst v20;
	v17 =	vld.idx.msk [tilespmem:v23+s11+$0x0], $0xffff  }
.Ltmp0:
0x65: {  	s15 =	sadd.s32 $0xFFFFFFF0, s7;
	s13 =	sadd.s32 $0x10800, s13;
	v18 =	vld.idx.msk [tilespmem:v13+s11+$0x0], $0xffff;
	[tilespmem:s28+$0x10800] =	vst v24;
	(pc) =	sbr.rel @p1 .LBB2_3-.Ltmp0, $4  }
0x66: {  	v19 =	vadd.s32 $0x200, v1;
	s16 =	sor.u32 $0x300, s5;
	s28 =	sand.u32 $0x60, s15;
	s15 =	sor.u32 s31, s13;
	v13 =	vmovc v25;
	[tilespmem:s2+$0x280] =	vst v26;
	v16 =	vld.idx.msk [tilespmem:v2+s11+$0x0], $0xffff;
	v2 =	vmovc v3;
	v3 =	vmov v4;
	v4 =	vmov v27  }
0x67: {  	s5 =	sor.u32 $0x380, s5;
	s31 =	sor.u32 s28, s13;
	s28 =	smov.u32 s6;
	[tilespmem:s15+$0x0] =	vst v28;
	v15 =	vld.idx.msk [tilespmem:v30+s11+$0x0], $0xffff  }
0x68: {  	s1 =	sadd.s32 $0x2, s1;
	s6 =	smov.u32 s30;
	s30 =	smov.u32 s16;
	[tilespmem:s31+$0x0] =	vst v29;
	v20 =	vld.idx.msk [tilespmem:v7+s11+$0x0], $0xffff  }
0x69: {  	s14 =	sadd.s32 $0x20, s14;
	s13 =	sand.u32 $0x7, s1;
	s2 =	smov.u32 s3;
	v7 =	vadd.s32 $0x380, v0;
	v0 =	vmov v1;
	v1 =	vmov v22;
	v21 =	vld.idx.msk [tilespmem:v21+s11+$0x0], $0xffff;
	[tilespmem:s19+$0x280] =	vst v31  }
0x6a: {  	v22 =	vadd.s32 $0x100, v1;
	_ =	sdelay $0x3  }
0x6b: {  	[tilespmem:s15+$0x80] =	vst v20  }
0x6c: {  	[tilespmem:s31+$0x80] =	vst v21;
	v20 =	vld.idx.msk [tilespmem:v22+s11+$0x0], $0xffff  }
0x6d: {  	v21 =	vadd.s32 $0x180, v1;
	v12 =	vld.idx.msk [tilespmem:v12+s11+$0x0], $0xffff;
	_ =	sdelay $0x3  }
0x6e: {  	[tilespmem:s15+$0x100] =	vst v20  }
0x6f: {  	[tilespmem:s31+$0x100] =	vst v12;
	v12 =	vld.idx.msk [tilespmem:v21+s11+$0x0], $0xffff  }
0x70: {  	v20 =	vadd.s32 $0x200, v1;
	v13 =	vld.idx.msk [tilespmem:v13+s11+$0x0], $0xffff;
	_ =	sdelay $0x1  }
0x71: {  	[tilespmem:s2+$0x180] =	vst v17  }
0x72: {  	[tilespmem:s25+$0x180] =	vst v18;
	v17 =	vld.idx.msk [tilespmem:v19+s11+$0x0], $0xffff  }
0x73: {  	v18 =	vadd.s32 $0x280, v0;
	v10 =	vld.idx.msk [tilespmem:v10+s11+$0x0], $0xffff;
	[tilespmem:s15+$0x180] =	vst v12  }
0x74: {  	[tilespmem:s31+$0x180] =	vst v13;
	v12 =	vld.idx.msk [tilespmem:v20+s11+$0x0], $0xffff  }
0x75: {  	v13 =	vld.idx.msk [tilespmem:v14+s11+$0x0], $0xffff;
	v14 =	vadd.s32 $0x280, v1;
	_ =	sdelay $0x1  }
0x76: {  	[tilespmem:s2+$0x200] =	vst v17  }
0x77: {  	[tilespmem:s25+$0x200] =	vst v10;
	v17 =	vld.idx.msk [tilespmem:v18+s11+$0x0], $0xffff  }
0x78: {  	v10 =	vadd.s32 $0x300, v0;
	v9 =	vld.idx.msk [tilespmem:v9+s11+$0x0], $0xffff;
	[tilespmem:s15+$0x200] =	vst v12  }
0x79: {  	[tilespmem:s31+$0x200] =	vst v13;
	v12 =	vld.idx.msk [tilespmem:v14+s11+$0x0], $0xffff  }
0x7a: {  	v13 =	vadd.s32 $0x300, v1;
	v11 =	vld.idx.msk [tilespmem:v11+s11+$0x0], $0xffff  }
0x7b: {  	v5 =	vld.idx.msk [tilespmem:v5+s11+$0x0], $0xffff;
	[tilespmem:s29+$0x10800] =	vst v16  }
0x7c: {  	[tilespmem:s2+$0x280] =	vst v17  }
0x7d: {  	s3 =	sshll.u32 s13, $0x4;
	s7 =	sadd.s32 $0x100, s24;
	s1 =	sadd.s32 $0x2, s1;
	[tilespmem:s25+$0x280] =	vst v9;
	v10 =	vld.idx.msk [tilespmem:v10+s11+$0x0], $0xffff  }
0x7e: {  	s19 =	sadd.s32 s3, s7;
	s8 =	sand.u32 $0x7, s1;
	v0 =	vadd.s32 $0x380, v0;
	v6 =	vld.idx.msk [tilespmem:v6+s11+$0x0], $0xffff;
	[tilespmem:s15+$0x280] =	vst v12  }
0x7f: {  	s7 =	sadd.s32 $0x100, s7;
	s1 =	sadd.s32 $0x2, s1;
	s8 =	sshll.u32 s8, $0x4;
	[tilespmem:s31+$0x280] =	vst v11;
	v9 =	vld.idx.msk [tilespmem:v13+s11+$0x0], $0xffff  }
0x80: {  	s3 =	sor.u32 $0x300, s19;
	s1 =	sand.u32 $0x7, s1;
	s24 =	sadd.s32 s8, s7;
	[tilespmem:s28+$0x10800] =	vst v5;
	v1 =	vadd.s32 $0x380, v1;
	v8 =	vld.idx.msk [tilespmem:v8+s11+$0x0], $0xffff  }
0x81: {  	[tilespmem:s3+$0x10800] =	vst v15;
	s1 =	sshll.u32 s1, $0x4;
	s7 =	sadd.s32 $0x100, s7;
	s8 =	sor.u32 $0x300, s24;
	v2 =	vld.idx.msk [tilespmem:v2+s11+$0x0], $0xffff  }
0x82: {  	v7 =	vld.idx.msk [tilespmem:v7+s11+$0x0], $0xffff;
	s1 =	sadd.s32 s1, s7;
	[tilespmem:s8+$0x10800] =	vst v10  }
0x83: {  	s25 =	sor.u32 $0x300, s1;
	[tilespmem:s6+$0x10800] =	vst v6;
	v0 =	vld.idx.msk [tilespmem:v0+s11+$0x0], $0xffff  }
0x84: {  	v3 =	vld.idx.msk [tilespmem:v3+s11+$0x0], $0xffff;
	[tilespmem:s25+$0x10800] =	vst v9  }
0x85: {  	[tilespmem:s30+$0x10800] =	vst v8;
	v1 =	vld.idx.msk [tilespmem:v1+s11+$0x0], $0xffff  }
0x86: {  	[tilespmem:s0+$0x10800] =	vst v2;
	s2 =	sor.u32 $0x380, s19;
	v4 =	vld.idx.msk [tilespmem:v4+s11+$0x0], $0xffff  }
0x87: {  	[tilespmem:s2+$0x10800] =	vst v7;
	s6 =	sor.u32 $0x380, s24  }
0x88: {  	[tilespmem:s6+$0x10800] =	vst v0  }
0x89: {  	s7 =	sor.u32 $0x380, s1;
	[tilespmem:s26+$0x10800] =	vst v3  }
0x8a: {  	s8 =	rddreg [dreg:$0x2];
	[tilespmem:s7+$0x10800] =	vst v1  }
0x8b: {  	s9 =	simm.s32 $0x10800;
	s0 =	sadd.s32 s8, s23;
	[tilespmem:s5+$0x10800] =	vst v4  }
0x8c: {  	[hbm4b:s0+s4] =	stream.linear.scatter [tilespmem:s9], [sflag:$0x3], $0x4000, $0x38;
	[tilespmem:$0x18800] =	vst v63  }
0x8d: {  	s0 =	simm.s32 @!p0 $0x4  }
0x8e: {  	_ =	swait.ge @!p0 [sflag:s0], $0x4000  }
0x8f: {  	[sflag:s0] =	ssyncset.done @!p0 $0x0  }
0x90: {  	s24 =	simm.s32 $0x10;
	[sflag:s0] =	ssyncadd.s32 @!p0 $0xFFFFC000  }
0x91: {  	v5 =	vld [tilespmem:s24+$0x0];
	_ =	sdelay $0x4  }
0x92: {  	v0 =	vadd.s32 $0x4000, v5;
	_ =	sdelay $0x4  }
0x93: {  	v0 =	vld.idx.msk [tilespmem:v0+s11+$0x0], $0xffff  }
0x94: {  	s0 =	simm.s32 $0x0;
	v1 =	vadd.s32 $0x4080, v5  }
0x95: {  	s10 =	sand.u32 $0x3C00, s0  }
0x96: {  	s14 =	sand.u32 $0x70, s24;
	v3 =	vld [tilespmem:s24+$0xFFFFFFF0];
	s13 =	sadd.s32 $0x14800, s10  }
0x97: {  	s1 =	sor.u32 s14, s13  }
0x98: {  	[tilespmem:s1+$0x0] =	vst v0  }
0x99: {  	s15 =	simm.s32 $0x30;
	v1 =	vld.idx.msk [tilespmem:v1+s11+$0x0], $0xffff  }
0x9a: {  	v2 =	vadd.s32 $0x4100, v5;
	v0 =	vld [tilespmem:s15+$0x0]  }
0x9b: {  	v6 =	vadd.s32 $0x4000, v3;
	_ =	sdelay $0x2  }
0x9c: {  	v4 =	vld [tilespmem:s15+$0xFFFFFFF0];
	[tilespmem:s1+$0x80] =	vst v1  }
0x9d: {  	v7 =	vadd.s32 $0x4000, v0;
	v1 =	vld.idx.msk [tilespmem:v2+s11+$0x0], $0xffff  }
0x9e: {  	v2 =	vld.idx.msk [tilespmem:v6+s11+$0x0], $0xffff;
	v6 =	vadd.s32 $0x4180, v5  }
0x9f: {  	v8 =	vadd.s32 $0x4080, v3  }
0xa0: {  	s16 =	simm.s32 $0x0  }
0xa1: {  	s5 =	sand.u32 $0x60, s16  }
0xa2: {  	s5 =	sor.u32 s5, s13;
	v9 =	vadd.s32 $0x4000, v4;
	v7 =	vld.idx.msk [tilespmem:v7+s11+$0x0], $0xffff;
	[tilespmem:s1+$0x100] =	vst v1  }
0xa3: {  	s17 =	simm.s32 $0x100;
	v10 =	vadd.s32 $0x4080, v0;
	[tilespmem:s5+$0x0] =	vst v2;
	v2 =	vld.idx.msk [tilespmem:v6+s11+$0x0], $0xffff  }
0xa4: {  	s19 =	simm.s32 $0x50;
	s2 =	sand.u32 $0x3C00, s17;
	v6 =	vld.idx.msk [tilespmem:v8+s11+$0x0], $0xffff;
	v8 =	vadd.s32 $0x4200, v5  }
0xa5: {  	s2 =	sadd.s32 $0x14800, s2;
	s3 =	sand.u32 $0x70, s15;
	v11 =	vadd.s32 $0x4100, v3;
	v1 =	vld [tilespmem:s19+$0x0]  }
0xa6: {  	s8 =	sor.u32 s3, s2;
	v12 =	vld [tilespmem:s19+$0xFFFFFFF0]  }
0xa7: {  	v9 =	vld.idx.msk [tilespmem:v9+s11+$0x0], $0xffff;
	[tilespmem:s8+$0x0] =	vst v7  }
0xa8: {  	v7 =	vld.idx.msk [tilespmem:v10+s11+$0x0], $0xffff;
	v10 =	vadd.s32 $0x4080, v4;
	[tilespmem:s1+$0x180] =	vst v2  }
0xa9: {  	s26 =	simm.s32 $0x20;
	v2 =	vadd.s32 $0x4100, v0;
	[tilespmem:s5+$0x80] =	vst v6;
	v8 =	vld.idx.msk [tilespmem:v8+s11+$0x0], $0xffff  }
0xaa: {  	s6 =	sand.u32 $0x60, s26;
	v13 =	vadd.s32 $0x4000, v1;
	v11 =	vld.idx.msk [tilespmem:v11+s11+$0x0], $0xffff  }
0xab: {  	s25 =	sor.u32 s6, s2;
	s6 =	simm.s32 $0x70;
	v6 =	vadd.s32 $0x4280, v5  }
0xac: {  	v24 =	vld [tilespmem:s6+$0xFFFFFFF0];
	v14 =	vadd.s32 $0x4180, v3;
	[tilespmem:s25+$0x0] =	vst v9  }
0xad: {  	v9 =	vld.idx.msk [tilespmem:v10+s11+$0x0], $0xffff;
	[tilespmem:s8+$0x80] =	vst v7;
	v7 =	vadd.s32 $0x4000, v12  }
0xae: {  	v10 =	vadd.s32 $0x4100, v4;
	v2 =	vld.idx.msk [tilespmem:v2+s11+$0x0], $0xffff;
	[tilespmem:s1+$0x200] =	vst v8  }
0xaf: {  	v8 =	vadd.s32 $0x4180, v0;
	[tilespmem:s5+$0x100] =	vst v11;
	v11 =	vld.idx.msk [tilespmem:v13+s11+$0x0], $0xffff  }
0xb0: {  	s7 =	simm.s32 $0x200;
	v15 =	vadd.s32 $0x4080, v1;
	v6 =	vld.idx.msk [tilespmem:v6+s11+$0x0], $0xffff  }
0xb1: {  	s2 =	sand.u32 $0x3C00, s7;
	v13 =	vadd.s32 $0x4300, v5;
	v14 =	vld.idx.msk [tilespmem:v14+s11+$0x0], $0xffff  }
0xb2: {  	s3 =	sand.u32 $0x70, s19;
	s2 =	sadd.s32 $0x14800, s2;
	[tilespmem:s25+$0x80] =	vst v9;
	v7 =	vld.idx.msk [tilespmem:v7+s11+$0x0], $0xffff  }
0xb3: {  	s28 =	sor.u32 s3, s2;
	v9 =	vld.idx.msk [tilespmem:v10+s11+$0x0], $0xffff;
	[tilespmem:s8+$0x100] =	vst v2  }
0xb4: {  	v10 =	vadd.s32 $0x4200, v3;
	v8 =	vld.idx.msk [tilespmem:v8+s11+$0x0], $0xffff;
	[tilespmem:s28+$0x0] =	vst v11  }
0xb5: {  	s9 =	simm.s32 $0x40;
	[tilespmem:s1+$0x280] =	vst v6;
	v6 =	vadd.s32 $0x4200, v0;
	v15 =	vld.idx.msk [tilespmem:v15+s11+$0x0], $0xffff  }
0xb6: {  	s1 =	sand.u32 $0x60, s9;
	v11 =	vld.idx.msk [tilespmem:v13+s11+$0x0], $0xffff;
	v13 =	vadd.s32 $0x4080, v12  }
0xb7: {  	v16 =	vadd.s32 $0x4180, v4;
	[tilespmem:s5+$0x180] =	vst v14;
	s26 =	sor.u32 s1, s2  }
0xb8: {  	s10 =	sand.u32 $0x7, s0;
	v5 =	vadd.s32 $0x4380, v5;
	v2 =	vld [tilespmem:s6+$0x0];
	[tilespmem:s26+$0x0] =	vst v7  }
0xb9: {  	s13 =	sshll.u32 s10, $0x4;
	v14 =	vadd.s32 $0x4100, v1;
	v10 =	vld.idx.msk [tilespmem:v10+s11+$0x0], $0xffff;
	[tilespmem:s8+$0x180] =	vst v8  }
0xba: {  	s1 =	sadd.s32 $0x10, s13;
	[tilespmem:s25+$0x100] =	vst v9;
	v8 =	vadd.s32 $0x4280, v3;
	v6 =	vld.idx.msk [tilespmem:v6+s11+$0x0], $0xffff  }
0xbb: {  	s14 =	sor.u32 $0x300, s1;
	[tilespmem:s28+$0x80] =	vst v15;
	v15 =	vadd.s32 $0x4000, v24;
	v7 =	vld.idx.msk [tilespmem:v13+s11+$0x0], $0xffff  }
0xbc: {  	s16 =	simm.s32 $0x2;
	v9 =	vadd.s32 $0x4280, v0;
	v13 =	vld.idx.msk [tilespmem:v16+s11+$0x0], $0xffff;
	[tilespmem:s14+$0x14800] =	vst v11  }
0xbd: {  	s3 =	sand.u32 $0x3, s16;
	v11 =	vadd.s32 $0x4000, v2;
	v5 =	vld.idx.msk [tilespmem:v5+s11+$0x0], $0xffff  }
0xbe: {  	s16 =	sand.u32 $0x70, s6;
	s3 =	sshll.u32 s3, $0x5;
	s0 =	sand.u32 $0x3, s0;
	v16 =	vadd.s32 $0x4100, v12;
	[tilespmem:s5+$0x200] =	vst v10;
	v10 =	vld.idx.msk [tilespmem:v14+s11+$0x0], $0xffff  }
0xbf: {  	s3 =	sadd.s32 $0x200, s3;
	s0 =	sshll.u32 s0, $0x5;
	s10 =	simm.s32 $0x3;
	v18 =	vadd.s32 $0x4180, v1;
	v17 =	vld.idx.msk [tilespmem:v8+s11+$0x0], $0xffff  }
0xc0: {  	s0 =	sadd.s32 $0x0, s0;
	s17 =	sand.u32 $0x3, s10;
	s15 =	simm.s32 $0x1;
	[tilespmem:s8+$0x200] =	vst v6;
	v6 =	vadd.s32 $0x4200, v4;
	v26 =	vld.idx.msk [tilespmem:v15+s11+$0x0], $0xffff  }
0xc1: {  	s7 =	sor.u32 $0x300, s0;
	s29 =	sor.u32 $0x380, s0;
	v23 =	vadd.s32 $0x4300, v3;
	s2 =	sand.u32 $0x3, s15;
	v22 =	vld.idx.msk [tilespmem:v9+s11+$0x0], $0xffff;
	[tilespmem:s26+$0x80] =	vst v7  }
0xc2: {  	s0 =	sor.u32 $0x300, s3;
	v27 =	vadd.s32 $0x4300, v0;
	s19 =	sshll.u32 s17, $0x5;
	s2 =	sshll.u32 s2, $0x5;
	v28 =	vadd.s32 $0x4080, v2;
	v14 =	vadd.s32 $0x4180, v12;
	v25 =	vld.idx.msk [tilespmem:v11+s11+$0x0], $0xffff;
	[tilespmem:s25+$0x180] =	vst v13  }
0xc3: {  	s9 =	sor.u32 $0x380, s1;
	s1 =	simm.s32 $0x300;
	s2 =	sadd.s32 $0x100, s2;
	v15 =	vadd.s32 $0x4200, v24;
	v13 =	vadd.s32 $0x4200, v12;
	v11 =	vadd.s32 $0x4280, v12;
	v19 =	vld.idx.msk [tilespmem:v16+s11+$0x0], $0xffff;
	[tilespmem:s28+$0x100] =	vst v10  }
0xc4: {  	s17 =	sadd.s32 $0x300, s19;
	s13 =	sand.u32 $0x3C00, s1;
	s31 =	sor.u32 $0x300, s2;
	v7 =	vadd.s32 $0x4300, v12;
	[tilespmem:s9+$0x14800] =	vst v5;
	v5 =	vadd.s32 $0x4380, v12;
	v16 =	vadd.s32 $0x4100, v24;
	v20 =	vld.idx.msk [tilespmem:v18+s11+$0x0], $0xffff  }
0xc5: {  	s30 =	sor.u32 $0x380, s2;
	s15 =	sadd.s32 $0x14800, s13;
	s14 =	simm.s32 $0x60;
	v12 =	vadd.s32 $0x4280, v24;
	v10 =	vadd.s32 $0x4300, v24;
	v18 =	vadd.s32 $0x4080, v24;
	[tilespmem:s5+$0x280] =	vst v17;
	v21 =	vld.idx.msk [tilespmem:v6+s11+$0x0], $0xffff  }
0xc6: {  	s2 =	sor.u32 $0x380, s3;
	s19 =	sand.u32 $0x60, s14;
	s9 =	sor.u32 s16, s15;
	v17 =	vadd.s32 $0x4180, v24;
	v23 =	vld.idx.msk [tilespmem:v23+s11+$0x0], $0xffff;
	v6 =	vadd.s32 $0x4380, v24;
	v24 =	vadd.s32 $0x4200, v1;
	[tilespmem:s8+$0x280] =	vst v22  }
0xc7: {  	v3 =	vadd.s32 $0x4380, v3;
	s14 =	simm.s32 $0x6;
	s3 =	sor.u32 s19, s15;
	s19 =	simm.s32 $0x2;
	[tilespmem:s9+$0x0] =	vst v25;
	v22 =	vld.idx.msk [tilespmem:v27+s11+$0x0], $0xffff  }
0xc8: {  	v8 =	vadd.s32 $0x4300, v4;
	v9 =	vadd.s32 $0x4280, v4;
	v4 =	vadd.s32 $0x4380, v4;
	s15 =	simm.s32 $0x90;
	s5 =	sor.u32 $0x380, s17;
	[tilespmem:s3+$0x0] =	vst v26;
	s8 =	sor.u32 $0x300, s17;
	v25 =	vld.idx.msk [tilespmem:v28+s11+$0x0], $0xffff  }
.LBB2_5:
0xc9: {  	s14 =	sadd.s32 $0x2, s14;
	[tilespmem:s26+$0x100] =	vst v19;
	s16 =	sand.u32 $0x7, s19;
	v19 =	vadd.s32 $0x4380, v0;
	v0 =	vmov v1;
	v1 =	vmov v2;
	v2 =	vld [tilespmem:s15+$0x0];
	s13 =	smov.u32 s25  }
0xca: {  	s24 =	sadd.s32 $0x100, s24;
	v26 =	vld [tilespmem:s15+$0xFFFFFFF0];
	p0 =	slt.u32 s14, $0x7E;
	v27 =	vadd.s32 $0x4100, v1;
	[tilespmem:s28+$0x180] =	vst v20;
	s16 =	sshll.u32 s16, $0x4  }
0xcb: {  	s25 =	smov.u32 s26;
	s26 =	smov.u32 s3;
	v20 =	vld.idx.msk [tilespmem:v24+s11+$0x0], $0xffff;
	s16 =	sadd.s32 s16, s24;
	[tilespmem:s13+$0x200] =	vst v21  }
0xcc: {  	v21 =	vld.idx.msk [tilespmem:v18+s11+$0x0], $0xffff;
	s3 =	sor.u32 $0x300, s16;
	[tilespmem:s7+$0x14800] =	vst v23;
	s7 =	smov.u32 s31;
	s31 =	smov.u32 s0  }
0xcd: {  	v24 =	vadd.s32 $0x4280, v0;
	s0 =	smov.u32 s8;
	v23 =	vld.idx.msk [tilespmem:v14+s11+$0x0], $0xffff;
	[tilespmem:s3+$0x14800] =	vst v22;
	v14 =	vmov v17;
	s3 =	smov.u32 s29;
	s29 =	smov.u32 s30  }
0xce: {  	s30 =	smov.u32 s2;
	s2 =	smov.u32 s5;
	v22 =	vadd.s32 $0x4000, v2;
	[tilespmem:s9+$0x80] =	vst v25;
	v19 =	vld.idx.msk [tilespmem:v19+s11+$0x0], $0xffff  }
0xcf: {  	v25 =	vadd.s32 $0x4000, v26;
	v18 =	vadd.s32 $0x4080, v26;
	v28 =	vadd.s32 $0x4100, v26;
	v27 =	vld.idx.msk [tilespmem:v27+s11+$0x0], $0xffff  }
0xd0: {  	v17 =	vadd.s32 $0x4180, v26;
	v29 =	vadd.s32 $0x4200, v26;
	v30 =	vld.idx.msk [tilespmem:v9+s11+$0x0], $0xffff;
	v9 =	vmovc v11;
	v11 =	vmovc v12;
	v12 =	vadd.s32 $0x4280, v26  }
0xd1: {  	v32 =	vadd.s32 $0x4180, v1;
	v31 =	vadd.s32 $0x4300, v26;
	v26 =	vadd.s32 $0x4380, v26;
	[tilespmem:s28+$0x200] =	vst v20;
	v33 =	vld.idx.msk [tilespmem:v3+s11+$0x0], $0xffff;
	v3 =	vmovc v4;
	v4 =	vmovc v5  }
0xd2: {  	v5 =	vmov v6;
	v6 =	vmov v26;
	[tilespmem:s26+$0x80] =	vst v21;
	v34 =	vld.idx.msk [tilespmem:v24+s11+$0x0], $0xffff  }
0xd3: {  	s10 =	sadd.s32 $0x1, s10;
	s5 =	sor.u32 $0x380, s16;
	v22 =	vld.idx.msk [tilespmem:v22+s11+$0x0], $0xffff;
	[tilespmem:s25+$0x180] =	vst v23  }
0xd4: {  	s8 =	sand.u32 $0x3, s10;
	v26 =	vadd.s32 $0x4300, v0;
	v25 =	vld.idx.msk [tilespmem:v25+s11+$0x0], $0xffff;
	[tilespmem:s5+$0x14800] =	vst v19  }
0xd5: {  	s1 =	sadd.s32 $0x100, s1;
	s6 =	sadd.s32 $0x20, s6;
	v35 =	vadd.s32 $0x4080, v2;
	s5 =	sshll.u32 s8, $0x5;
	v19 =	vld.idx.msk [tilespmem:v16+s11+$0x0], $0xffff;
	[tilespmem:s9+$0x100] =	vst v27;
	v16 =	vmov v28  }
.Ltmp1:
0xd6: {  	s8 =	sand.u32 $0x3C00, s1;
	s5 =	sadd.s32 s5, s1;
	v20 =	vld.idx.msk [tilespmem:v32+s11+$0x0], $0xffff;
	[tilespmem:s13+$0x280] =	vst v30;
	(pc) =	sbr.rel @p0 .LBB2_5-.Ltmp1, $4  }
0xd7: {  	s17 =	sand.u32 $0x70, s6;
	s16 =	sadd.s32 $0x14800, s8;
	s13 =	sadd.s32 $0xFFFFFFF0, s6;
	v21 =	vld.idx.msk [tilespmem:v13+s11+$0x0], $0xffff;
	[tilespmem:s3+$0x14800] =	vst v33;
	v13 =	vmov v15;
	v15 =	vmov v29  }
0xd8: {  	v24 =	vadd.s32 $0x4200, v1;
	s8 =	sor.u32 $0x300, s5;
	s3 =	sand.u32 $0x60, s13;
	s13 =	sor.u32 s17, s16;
	[tilespmem:s28+$0x280] =	vst v34;
	v23 =	vld.idx.msk [tilespmem:v8+s11+$0x0], $0xffff;
	v8 =	vmovc v7;
	v7 =	vmov v10;
	v10 =	vmov v31  }
0xd9: {  	s5 =	sor.u32 $0x380, s5;
	s3 =	sor.u32 s3, s16;
	s28 =	smov.u32 s9;
	[tilespmem:s13+$0x0] =	vst v22;
	v22 =	vld.idx.msk [tilespmem:v26+s11+$0x0], $0xffff  }
0xda: {  	s19 =	sadd.s32 $0x2, s19;
	s15 =	sadd.s32 $0x20, s15;
	s9 =	smov.u32 s13;
	[tilespmem:s3+$0x0] =	vst v25;
	v25 =	vld.idx.msk [tilespmem:v35+s11+$0x0], $0xffff  }
0xdb: {  	_ =	sdelay $0x3  }
0xdc: {  	v26 =	vadd.s32 $0x4100, v2;
	v18 =	vld.idx.msk [tilespmem:v18+s11+$0x0], $0xffff;
	_ =	sdelay $0x3  }
0xdd: {  	[tilespmem:s9+$0x80] =	vst v25  }
0xde: {  	v25 =	vld.idx.msk [tilespmem:v26+s11+$0x0], $0xffff;
	[tilespmem:s3+$0x80] =	vst v18  }
0xdf: {  	v62 =	vadd.s32 $0x4180, v2;
	v16 =	vld.idx.msk [tilespmem:v16+s11+$0x0], $0xffff;
	_ =	sdelay $0x1  }
0xe0: {  	[tilespmem:s26+$0x100] =	vst v19  }
0xe1: {  	v14 =	vld.idx.msk [tilespmem:v14+s11+$0x0], $0xffff  }
0xe2: {  	[tilespmem:s9+$0x100] =	vst v25  }
0xe3: {  	v18 =	vld.idx.msk [tilespmem:v62+s11+$0x0], $0xffff;
	[tilespmem:s3+$0x100] =	vst v16  }
0xe4: {  	v19 =	vadd.s32 $0x4200, v2;
	v16 =	vld.idx.msk [tilespmem:v17+s11+$0x0], $0xffff;
	_ =	sdelay $0x1  }
0xe5: {  	[tilespmem:s26+$0x180] =	vst v14  }
0xe6: {  	[tilespmem:s28+$0x180] =	vst v20;
	v13 =	vld.idx.msk [tilespmem:v13+s11+$0x0], $0xffff  }
0xe7: {  	v17 =	vld.idx.msk [tilespmem:v24+s11+$0x0], $0xffff;
	[tilespmem:s9+$0x180] =	vst v18  }
0xe8: {  	v20 =	vadd.s32 $0x4280, v1;
	v14 =	vld.idx.msk [tilespmem:v19+s11+$0x0], $0xffff;
	[tilespmem:s3+$0x180] =	vst v16  }
0xe9: {  	[tilespmem:s25+$0x200] =	vst v21;
	v18 =	vadd.s32 $0x4280, v2;
	v15 =	vld.idx.msk [tilespmem:v15+s11+$0x0], $0xffff  }
0xea: {  	[tilespmem:s7+$0x14800] =	vst v23  }
0xeb: {  	s1 =	sand.u32 $0x7, s19;
	v0 =	vadd.s32 $0x4380, v0;
	v9 =	vld.idx.msk [tilespmem:v9+s11+$0x0], $0xffff;
	[tilespmem:s26+$0x200] =	vst v13  }
0xec: {  	s6 =	sadd.s32 $0x100, s24;
	s1 =	sshll.u32 s1, $0x4;
	v11 =	vld.idx.msk [tilespmem:v11+s11+$0x0], $0xffff;
	[tilespmem:s28+$0x200] =	vst v17  }
0xed: {  	s1 =	sadd.s32 s1, s6;
	v16 =	vld.idx.msk [tilespmem:v20+s11+$0x0], $0xffff;
	[tilespmem:s9+$0x200] =	vst v14  }
0xee: {  	s13 =	sor.u32 $0x300, s1;
	v17 =	vadd.s32 $0x4300, v1;
	v13 =	vld.idx.msk [tilespmem:v18+s11+$0x0], $0xffff;
	[tilespmem:s3+$0x200] =	vst v15  }
0xef: {  	[tilespmem:s13+$0x14800] =	vst v22;
	v14 =	vadd.s32 $0x4300, v2;
	v12 =	vld.idx.msk [tilespmem:v12+s11+$0x0], $0xffff  }
0xf0: {  	v0 =	vld.idx.msk [tilespmem:v0+s11+$0x0], $0xffff;
	[tilespmem:s25+$0x280] =	vst v9  }
0xf1: {  	v8 =	vld.idx.msk [tilespmem:v8+s11+$0x0], $0xffff;
	[tilespmem:s26+$0x280] =	vst v11  }
0xf2: {  	v7 =	vld.idx.msk [tilespmem:v7+s11+$0x0], $0xffff;
	[tilespmem:s28+$0x280] =	vst v16  }
0xf3: {  	s14 =	sadd.s32 $0x2, s19;
	v9 =	vld.idx.msk [tilespmem:v17+s11+$0x0], $0xffff;
	[tilespmem:s9+$0x280] =	vst v13  }
0xf4: {  	s10 =	sand.u32 $0x7, s14;
	s7 =	sadd.s32 $0x2, s14;
	s1 =	sor.u32 $0x380, s1;
	v1 =	vadd.s32 $0x4380, v1;
	v11 =	vld.idx.msk [tilespmem:v14+s11+$0x0], $0xffff;
	[tilespmem:s3+$0x280] =	vst v12  }
0xf5: {  	s15 =	sshll.u32 s10, $0x4;
	s6 =	sadd.s32 $0x100, s6;
	s7 =	sand.u32 $0x7, s7;
	[tilespmem:s1+$0x14800] =	vst v0;
	v2 =	vadd.s32 $0x4380, v2;
	v0 =	vld.idx.msk [tilespmem:v10+s11+$0x0], $0xffff  }
0xf6: {  	v3 =	vld.idx.msk [tilespmem:v3+s11+$0x0], $0xffff;
	s17 =	sshll.u32 s7, $0x4;
	[tilespmem:s31+$0x14800] =	vst v8;
	s9 =	sadd.s32 s15, s6;
	s6 =	sadd.s32 $0x100, s6  }
0xf7: {  	v4 =	vld.idx.msk [tilespmem:v4+s11+$0x0], $0xffff;
	[tilespmem:s0+$0x14800] =	vst v7;
	s16 =	sor.u32 $0x300, s9;
	s19 =	sadd.s32 s17, s6  }
0xf8: {  	v5 =	vld.idx.msk [tilespmem:v5+s11+$0x0], $0xffff;
	[tilespmem:s16+$0x14800] =	vst v9;
	s3 =	sor.u32 $0x300, s19  }
0xf9: {  	v1 =	vld.idx.msk [tilespmem:v1+s11+$0x0], $0xffff;
	[tilespmem:s3+$0x14800] =	vst v11  }
0xfa: {  	v2 =	vld.idx.msk [tilespmem:v2+s11+$0x0], $0xffff;
	[tilespmem:s8+$0x14800] =	vst v0  }
0xfb: {  	[tilespmem:s29+$0x14800] =	vst v3;
	v0 =	vld.idx.msk [tilespmem:v6+s11+$0x0], $0xffff  }
0xfc: {  	[tilespmem:s30+$0x14800] =	vst v4  }
0xfd: {  	s24 =	sor.u32 $0x380, s9;
	[tilespmem:s2+$0x14800] =	vst v5  }
0xfe: {  	s26 =	rddreg [dreg:$0x2];
	s25 =	sor.u32 $0x380, s19;
	[tilespmem:s24+$0x14800] =	vst v1  }
0xff: {  	s23 =	sadd.s32 s23, s26;
	[tilespmem:s25+$0x14800] =	vst v2  }
0x100: {  	s30 =	simm.s32 $0x14800;
	s0 =	sadd.s32 $0x800, s23;
	[tilespmem:s5+$0x14800] =	vst v0  }
0x101: {  	[hbm4b:s0+s4] =	stream.linear.scatter [tilespmem:s30], [sflag:$0x4], $0x4000, $0x38;
	[tilespmem:$0x18800] =	vst v63  }
0x102: {  	p0 =	seq.s32 s20, $0x1F;
	s0 =	rddreg [dreg:$0x7]  }
0x103: {  	s0 =	sadd.s32 @!p0 s22, s0  }
0x104: {  	s0 =	sshrl.u32 @!p0 s0, $0x3  }
0x105: {  	s1 =	simm.s32 @!p0 $0x0;
	s2 =	simm.s32 @!p0 $0x800;
	s0 =	sadd.s32 @!p0 s18, s0  }
0x106: {  	[tilespmem:s2], [sflag:$0x1] =	stream.linear.gather @!p0 [hbm4b:s0+s1], $0x8000, $0x38;
	[tilespmem:$0x18800] =	vst v63  }
0x107: {  	s2 =	simm.s32 $0x2  }
0x108: {  	_ =	swait.ge [sflag:s2], $0x8000  }
0x109: {  	[sflag:s2] =	ssyncset.done $0x0  }
0x10a: {  	s3 =	simm.s32 $0x3;
	[sflag:s2] =	ssyncadd.s32 $0xFFFF8000  }
0x10b: {  	_ =	swait.ge [sflag:s3], $0x4000  }
0x10c: {  	[sflag:s3] =	ssyncset.done $0x0  }
0x10d: {  	s22 =	simm.s32 $0x10;
	[sflag:s3] =	ssyncadd.s32 $0xFFFFC000  }
0x10e: {  	v1 =	vld [tilespmem:s22+$0x0]  }
0x10f: {  	v3 =	vld [tilespmem:s22+$0xFFFFFFF0];
	_ =	sdelay $0x6  }
0x110: {  	v0 =	vld.idx.msk [tilespmem:v1+s12+$0x0], $0xffff  }
0x111: {  	s5 =	simm.s32 $0x0;
	v4 =	vadd.s32 $0x80, v1;
	v2 =	vld.idx.msk [tilespmem:v3+s12+$0x0], $0xffff  }
0x112: {  	s8 =	sand.u32 $0x3C00, s5;
	v5 =	vadd.s32 $0x80, v3  }
0x113: {  	s9 =	simm.s32 $0x0;
	s10 =	sand.u32 $0x70, s22;
	s1 =	sadd.s32 $0x10800, s8  }
0x114: {  	s14 =	simm.s32 $0x30;
	s2 =	sand.u32 $0x60, s9;
	s3 =	sor.u32 s10, s1  }
0x115: {  	s13 =	sor.u32 s2, s1;
	v7 =	vld [tilespmem:s14+$0x0];
	[tilespmem:s3+$0x0] =	vst v0  }
0x116: {  	[tilespmem:s13+$0x0] =	vst v2;
	v0 =	vld.idx.msk [tilespmem:v4+s12+$0x0], $0xffff  }
0x117: {  	v4 =	vld.idx.msk [tilespmem:v5+s12+$0x0], $0xffff;
	v5 =	vadd.s32 $0x100, v1  }
0x118: {  	v6 =	vadd.s32 $0x100, v3;
	v2 =	vld [tilespmem:s14+$0xFFFFFFF0];
	_ =	sdelay $0x2  }
0x119: {  	[tilespmem:s3+$0x80] =	vst v0  }
0x11a: {  	[tilespmem:s13+$0x80] =	vst v4;
	v0 =	vld.idx.msk [tilespmem:v5+s12+$0x0], $0xffff  }
0x11b: {  	v4 =	vadd.s32 $0x180, v1;
	v5 =	vld.idx.msk [tilespmem:v6+s12+$0x0], $0xffff  }
0x11c: {  	v8 =	vld.idx.msk [tilespmem:v7+s12+$0x0], $0xffff;
	v6 =	vadd.s32 $0x180, v3  }
0x11d: {  	s15 =	simm.s32 $0x100;
	v10 =	vadd.s32 $0x80, v7  }
0x11e: {  	s2 =	sand.u32 $0x3C00, s15;
	v9 =	vld.idx.msk [tilespmem:v2+s12+$0x0], $0xffff  }
0x11f: {  	s2 =	sadd.s32 $0x10800, s2;
	s1 =	sand.u32 $0x70, s14;
	v11 =	vadd.s32 $0x80, v2;
	[tilespmem:s3+$0x100] =	vst v0  }
0x120: {  	s16 =	simm.s32 $0x20;
	s1 =	sor.u32 s1, s2;
	[tilespmem:s13+$0x100] =	vst v5;
	v4 =	vld.idx.msk [tilespmem:v4+s12+$0x0], $0xffff  }
0x121: {  	s6 =	sand.u32 $0x60, s16;
	[tilespmem:s1+$0x0] =	vst v8;
	v5 =	vadd.s32 $0x200, v1;
	v6 =	vld.idx.msk [tilespmem:v6+s12+$0x0], $0xffff  }
0x122: {  	s17 =	simm.s32 $0x50;
	s19 =	sor.u32 s6, s2;
	v8 =	vld.idx.msk [tilespmem:v10+s12+$0x0], $0xffff;
	v10 =	vadd.s32 $0x200, v3  }
0x123: {  	v12 =	vld [tilespmem:s17+$0xFFFFFFF0];
	[tilespmem:s19+$0x0] =	vst v9  }
0x124: {  	v9 =	vld.idx.msk [tilespmem:v11+s12+$0x0], $0xffff  }
0x125: {  	v0 =	vld [tilespmem:s17+$0x0];
	v11 =	vadd.s32 $0x100, v2;
	[tilespmem:s3+$0x180] =	vst v4  }
0x126: {  	v4 =	vadd.s32 $0x100, v7;
	[tilespmem:s13+$0x180] =	vst v6;
	v5 =	vld.idx.msk [tilespmem:v5+s12+$0x0], $0xffff  }
0x127: {  	v6 =	vld.idx.msk [tilespmem:v10+s12+$0x0], $0xffff  }
0x128: {  	v13 =	vadd.s32 $0x280, v1  }
0x129: {  	[tilespmem:s19+$0x80] =	vst v9  }
0x12a: {  	[tilespmem:s1+$0x80] =	vst v8;
	v9 =	vld.idx.msk [tilespmem:v11+s12+$0x0], $0xffff  }
0x12b: {  	s31 =	smov.u32 s18;
	s18 =	simm.s32 $0x200;
	v8 =	vadd.s32 $0x280, v3;
	v4 =	vld.idx.msk [tilespmem:v4+s12+$0x0], $0xffff;
	[tilespmem:s3+$0x200] =	vst v5  }
0x12c: {  	s24 =	simm.s32 $0x40;
	s6 =	sand.u32 $0x3C00, s18;
	v10 =	vadd.s32 $0x180, v7;
	[tilespmem:s13+$0x200] =	vst v6;
	v6 =	vld.idx.msk [tilespmem:v12+s12+$0x0], $0xffff  }
0x12d: {  	s7 =	sand.u32 $0x60, s24;
	s6 =	sadd.s32 $0x10800, s6;
	v5 =	vadd.s32 $0x180, v2;
	v11 =	vld.idx.msk [tilespmem:v13+s12+$0x0], $0xffff  }
0x12e: {  	s24 =	sor.u32 s7, s6;
	s7 =	simm.s32 $0x70;
	v16 =	vadd.s32 $0x80, v12;
	v13 =	vld.idx.msk [tilespmem:v0+s12+$0x0], $0xffff  }
0x12f: {  	v19 =	vld [tilespmem:s7+$0xFFFFFFF0];
	v14 =	vadd.s32 $0x300, v1;
	[tilespmem:s19+$0x100] =	vst v9  }
0x130: {  	v15 =	vadd.s32 $0x80, v0;
	[tilespmem:s1+$0x100] =	vst v4;
	v4 =	vld.idx.msk [tilespmem:v8+s12+$0x0], $0xffff  }
0x131: {  	s2 =	sand.u32 $0x70, s17;
	v8 =	vld.idx.msk [tilespmem:v10+s12+$0x0], $0xffff;
	[tilespmem:s24+$0x0] =	vst v6  }
0x132: {  	s2 =	sor.u32 s2, s6;
	v5 =	vld.idx.msk [tilespmem:v5+s12+$0x0], $0xffff;
	[tilespmem:s3+$0x280] =	vst v11  }
0x133: {  	v9 =	vadd.s32 $0x200, v7;
	[tilespmem:s2+$0x0] =	vst v13;
	v13 =	vld.idx.msk [tilespmem:v16+s12+$0x0], $0xffff  }
0x134: {  	v11 =	vadd.s32 $0x200, v2;
	v10 =	vld.idx.msk [tilespmem:v14+s12+$0x0], $0xffff  }
0x135: {  	s25 =	sand.u32 $0x7, s5;
	v6 =	vld.idx.msk [tilespmem:v15+s12+$0x0], $0xffff;
	v14 =	vadd.s32 $0x380, v1  }
0x136: {  	s3 =	sshll.u32 s25, $0x4;
	v1 =	vld [tilespmem:s7+$0x0];
	v15 =	vadd.s32 $0x100, v0  }
0x137: {  	v20 =	vld.idx.msk [tilespmem:v19+s12+$0x0], $0xffff;
	s3 =	sadd.s32 $0x10, s3;
	[tilespmem:s1+$0x180] =	vst v8;
	v8 =	vadd.s32 $0x100, v12  }
0x138: {  	v16 =	vadd.s32 $0x300, v3;
	s26 =	sor.u32 $0x300, s3;
	[tilespmem:s19+$0x180] =	vst v5;
	v9 =	vld.idx.msk [tilespmem:v9+s12+$0x0], $0xffff  }
0x139: {  	v5 =	vld.idx.msk [tilespmem:v11+s12+$0x0], $0xffff;
	[tilespmem:s26+$0x10800] =	vst v10  }
0x13a: {  	s0 =	sand.u32 $0x3, s5;
	v11 =	vadd.s32 $0x280, v7;
	[tilespmem:s2+$0x80] =	vst v6;
	v6 =	vld.idx.msk [tilespmem:v14+s12+$0x0], $0xffff  }
0x13b: {  	s0 =	sshll.u32 s0, $0x5;
	[tilespmem:s24+$0x80] =	vst v13;
	v13 =	vadd.s32 $0x280, v2;
	v10 =	vld.idx.msk [tilespmem:v15+s12+$0x0], $0xffff  }
0x13c: {  	s0 =	sadd.s32 $0x0, s0;
	[tilespmem:s13+$0x280] =	vst v4;
	v4 =	vld.idx.msk [tilespmem:v8+s12+$0x0], $0xffff;
	v8 =	vadd.s32 $0x180, v0  }
0x13d: {  	s30 =	simm.s32 $0x1;
	s8 =	sor.u32 $0x300, s0;
	s28 =	sor.u32 $0x380, s0;
	v14 =	vadd.s32 $0x180, v12;
	[tilespmem:s1+$0x200] =	vst v9;
	v9 =	vld.idx.msk [tilespmem:v16+s12+$0x0], $0xffff  }
0x13e: {  	s9 =	simm.s32 $0x3;
	s6 =	sand.u32 $0x3, s30;
	v3 =	vadd.s32 $0x380, v3;
	s3 =	sor.u32 $0x380, s3;
	v15 =	vld.idx.msk [tilespmem:v1+s12+$0x0], $0xffff;
	[tilespmem:s19+$0x200] =	vst v5  }
0x13f: {  	s10 =	simm.s32 $0x300;
	s16 =	sshll.u32 s6, $0x5;
	s15 =	sand.u32 $0x70, s7;
	v11 =	vld.idx.msk [tilespmem:v11+s12+$0x0], $0xffff;
	[tilespmem:s3+$0x10800] =	vst v6  }
0x140: {  	s0 =	sadd.s32 $0x100, s16;
	v21 =	vadd.s32 $0x300, v7;
	s17 =	simm.s32 $0x2;
	s13 =	sand.u32 $0x3C00, s10;
	v22 =	vadd.s32 $0x80, v1;
	v23 =	vld.idx.msk [tilespmem:v13+s12+$0x0], $0xffff;
	[tilespmem:s2+$0x100] =	vst v10  }
0x141: {  	v63 =	vadd.s32 $0x80, v19;
	s14 =	simm.s32 $0x60;
	s6 =	sand.u32 $0x3, s17;
	s13 =	sadd.s32 $0x10800, s13;
	v13 =	vadd.s32 $0x180, v19;
	v10 =	vadd.s32 $0x200, v12;
	[tilespmem:s24+$0x100] =	vst v4;
	v17 =	vld.idx.msk [tilespmem:v8+s12+$0x0], $0xffff  }
0x142: {  	s6 =	sshll.u32 s6, $0x5;
	s25 =	sand.u32 $0x3, s9;
	v6 =	vadd.s32 $0x300, v12;
	s3 =	sor.u32 s15, s13;
	v8 =	vadd.s32 $0x300, v19;
	v4 =	vadd.s32 $0x380, v19;
	v18 =	vld.idx.msk [tilespmem:v14+s12+$0x0], $0xffff;
	[tilespmem:s8+$0x10800] =	vst v9  }
0x143: {  	s14 =	sand.u32 $0x60, s14;
	s18 =	sadd.s32 $0x200, s6;
	s30 =	sshll.u32 s25, $0x5;
	[tilespmem:s3+$0x0] =	vst v15;
	v9 =	vadd.s32 $0x280, v12;
	v14 =	vadd.s32 $0x200, v19;
	v16 =	vld.idx.msk [tilespmem:v3+s12+$0x0], $0xffff;
	v3 =	vadd.s32 $0x380, v12  }
0x144: {  	s6 =	sor.u32 $0x300, s18;
	s5 =	sadd.s32 $0x300, s30;
	s15 =	sor.u32 s14, s13;
	[tilespmem:s1+$0x280] =	vst v11;
	v12 =	vadd.s32 $0x100, v19;
	v11 =	vadd.s32 $0x280, v19;
	v19 =	vadd.s32 $0x200, v0  }
0x145: {  	s25 =	sor.u32 $0x380, s18;
	s29 =	sor.u32 $0x300, s5;
	s5 =	sor.u32 $0x380, s5;
	[tilespmem:s15+$0x0] =	vst v20;
	v20 =	vld.idx.msk [tilespmem:v22+s12+$0x0], $0xffff  }
0x146: {  	s26 =	sor.u32 $0x300, s0;
	s0 =	sor.u32 $0x380, s0;
	s1 =	simm.s32 $0x2;
	v15 =	vld.idx.msk [tilespmem:v21+s12+$0x0], $0xffff  }
0x147: {  	v7 =	vadd.s32 $0x380, v7;
	v5 =	vadd.s32 $0x300, v2;
	v2 =	vadd.s32 $0x380, v2;
	s14 =	simm.s32 $0x90;
	s8 =	simm.s32 $0x6;
	[tilespmem:s19+$0x280] =	vst v23;
	v21 =	vld.idx.msk [tilespmem:v63+s12+$0x0], $0xffff;
	s13 =	sand.u32 $0x7, s1  }
.LBB2_7:
0x148: {  	v22 =	vld [tilespmem:s14+$0x0];
	v23 =	vadd.s32 $0x100, v1;
	[tilespmem:s2+$0x180] =	vst v17;
	s13 =	sshll.u32 s13, $0x4;
	s22 =	sadd.s32 $0x100, s22;
	s19 =	smov.u32 s3  }
0x149: {  	s8 =	sadd.s32 $0x2, s8;
	s30 =	smov.u32 s24;
	[tilespmem:s24+$0x180] =	vst v18;
	v17 =	vld.idx.msk [tilespmem:v19+s12+$0x0], $0xffff;
	s3 =	sadd.s32 s13, s22  }
0x14a: {  	p0 =	slt.u32 s8, $0x7E;
	s24 =	smov.u32 s15;
	v18 =	vld [tilespmem:s14+$0xFFFFFFF0];
	s13 =	sor.u32 $0x300, s3;
	[tilespmem:s28+$0x10800] =	vst v16  }
0x14b: {  	v19 =	vadd.s32 $0x280, v0;
	s28 =	smov.u32 s0;
	s0 =	smov.u32 s25;
	s25 =	smov.u32 s5;
	v16 =	vld.idx.msk [tilespmem:v10+s12+$0x0], $0xffff;
	[tilespmem:s13+$0x10800] =	vst v15;
	v10 =	vmov v14  }
0x14c: {  	[tilespmem:s19+$0x80] =	vst v20;
	v7 =	vld.idx.msk [tilespmem:v7+s12+$0x0], $0xffff  }
0x14d: {  	[tilespmem:s24+$0x80] =	vst v21;
	v15 =	vld.idx.msk [tilespmem:v23+s12+$0x0], $0xffff  }
0x14e: {  	v20 =	vld.idx.msk [tilespmem:v12+s12+$0x0], $0xffff  }
0x14f: {  	v23 =	vadd.s32 $0x180, v1;
	v21 =	vadd.s32 $0x80, v18;
	v12 =	vadd.s32 $0x100, v18;
	[tilespmem:s2+$0x200] =	vst v17;
	v24 =	vld.idx.msk [tilespmem:v5+s12+$0x0], $0xffff;
	v5 =	vmovc v6;
	v6 =	vmovc v8  }
0x150: {  	v25 =	vadd.s32 $0x180, v18;
	v14 =	vadd.s32 $0x200, v18;
	v17 =	vadd.s32 $0x280, v18;
	v26 =	vld.idx.msk [tilespmem:v19+s12+$0x0], $0xffff  }
0x151: {  	s9 =	sadd.s32 $0x1, s9;
	s3 =	sor.u32 $0x380, s3;
	v8 =	vadd.s32 $0x300, v18;
	v27 =	vadd.s32 $0x380, v18;
	v28 =	vld.idx.msk [tilespmem:v22+s12+$0x0], $0xffff;
	[tilespmem:s30+$0x200] =	vst v16  }
0x152: {  	v30 =	vadd.s32 $0x300, v0;
	s5 =	sand.u32 $0x3, s9;
	v29 =	vld.idx.msk [tilespmem:v18+s12+$0x0], $0xffff;
	[tilespmem:s3+$0x10800] =	vst v7  }
0x153: {  	s10 =	sadd.s32 $0x100, s10;
	s7 =	sadd.s32 $0x20, s7;
	s3 =	sshll.u32 s5, $0x5;
	v7 =	vadd.s32 $0x80, v22;
	[tilespmem:s19+$0x100] =	vst v15;
	v31 =	vld.idx.msk [tilespmem:v9+s12+$0x0], $0xffff;
	v9 =	vmov v11;
	v11 =	vmov v17  }
0x154: {  	s13 =	sadd.s32 $0xFFFFFFF0, s7;
	s5 =	sadd.s32 s3, s10;
	s3 =	sand.u32 $0x3C00, s10;
	[tilespmem:s24+$0x100] =	vst v20;
	v17 =	vld.idx.msk [tilespmem:v23+s12+$0x0], $0xffff  }
.Ltmp2:
0x155: {  	s15 =	sadd.s32 $0x10800, s3;
	s3 =	sand.u32 $0x70, s7;
	v18 =	vld.idx.msk [tilespmem:v13+s12+$0x0], $0xffff;
	[tilespmem:s26+$0x10800] =	vst v24;
	(pc) =	sbr.rel @p0 .LBB2_7-.Ltmp2, $4  }
0x156: {  	s13 =	sand.u32 $0x60, s13;
	v19 =	vadd.s32 $0x200, v1;
	s16 =	sor.u32 $0x300, s5;
	s3 =	sor.u32 s3, s15;
	v13 =	vmovc v25;
	[tilespmem:s2+$0x280] =	vst v26;
	v16 =	vld.idx.msk [tilespmem:v2+s12+$0x0], $0xffff;
	v2 =	vmovc v3;
	v3 =	vmov v4;
	v4 =	vmov v27  }
0x157: {  	s5 =	sor.u32 $0x380, s5;
	s15 =	sor.u32 s13, s15;
	s26 =	smov.u32 s6;
	[tilespmem:s3+$0x0] =	vst v28;
	v15 =	vld.idx.msk [tilespmem:v30+s12+$0x0], $0xffff  }
0x158: {  	s1 =	sadd.s32 $0x2, s1;
	s6 =	smov.u32 s29;
	s29 =	smov.u32 s16;
	[tilespmem:s15+$0x0] =	vst v29;
	v20 =	vld.idx.msk [tilespmem:v7+s12+$0x0], $0xffff  }
0x159: {  	s14 =	sadd.s32 $0x20, s14;
	s13 =	sand.u32 $0x7, s1;
	s2 =	smov.u32 s19;
	v7 =	vadd.s32 $0x380, v0;
	v0 =	vmov v1;
	v1 =	vmov v22;
	v21 =	vld.idx.msk [tilespmem:v21+s12+$0x0], $0xffff;
	[tilespmem:s30+$0x280] =	vst v31  }
0x15a: {  	v22 =	vadd.s32 $0x100, v1;
	_ =	sdelay $0x3  }
0x15b: {  	[tilespmem:s3+$0x80] =	vst v20  }
0x15c: {  	[tilespmem:s15+$0x80] =	vst v21;
	v20 =	vld.idx.msk [tilespmem:v22+s12+$0x0], $0xffff  }
0x15d: {  	v21 =	vadd.s32 $0x180, v1;
	v12 =	vld.idx.msk [tilespmem:v12+s12+$0x0], $0xffff;
	_ =	sdelay $0x3  }
0x15e: {  	[tilespmem:s3+$0x100] =	vst v20  }
0x15f: {  	[tilespmem:s15+$0x100] =	vst v12;
	v12 =	vld.idx.msk [tilespmem:v21+s12+$0x0], $0xffff  }
0x160: {  	v20 =	vadd.s32 $0x200, v1;
	v13 =	vld.idx.msk [tilespmem:v13+s12+$0x0], $0xffff;
	_ =	sdelay $0x1  }
0x161: {  	[tilespmem:s24+$0x180] =	vst v18  }
0x162: {  	[tilespmem:s2+$0x180] =	vst v17;
	v10 =	vld.idx.msk [tilespmem:v10+s12+$0x0], $0xffff  }
0x163: {  	v17 =	vld.idx.msk [tilespmem:v19+s12+$0x0], $0xffff;
	[tilespmem:s3+$0x180] =	vst v12  }
0x164: {  	v18 =	vadd.s32 $0x280, v0;
	[tilespmem:s15+$0x180] =	vst v13;
	v12 =	vld.idx.msk [tilespmem:v20+s12+$0x0], $0xffff  }
0x165: {  	v13 =	vld.idx.msk [tilespmem:v14+s12+$0x0], $0xffff;
	v14 =	vadd.s32 $0x280, v1;
	_ =	sdelay $0x1  }
0x166: {  	[tilespmem:s24+$0x200] =	vst v10  }
0x167: {  	[tilespmem:s2+$0x200] =	vst v17;
	v9 =	vld.idx.msk [tilespmem:v9+s12+$0x0], $0xffff  }
0x168: {  	v17 =	vld.idx.msk [tilespmem:v18+s12+$0x0], $0xffff;
	[tilespmem:s3+$0x200] =	vst v12  }
0x169: {  	v10 =	vadd.s32 $0x300, v0;
	[tilespmem:s15+$0x200] =	vst v13;
	v12 =	vld.idx.msk [tilespmem:v14+s12+$0x0], $0xffff  }
0x16a: {  	v13 =	vadd.s32 $0x300, v1;
	v11 =	vld.idx.msk [tilespmem:v11+s12+$0x0], $0xffff  }
0x16b: {  	v5 =	vld.idx.msk [tilespmem:v5+s12+$0x0], $0xffff;
	[tilespmem:s28+$0x10800] =	vst v16  }
0x16c: {  	[tilespmem:s24+$0x280] =	vst v9  }
0x16d: {  	s7 =	sshll.u32 s13, $0x4;
	s8 =	sadd.s32 $0x100, s22;
	[tilespmem:s2+$0x280] =	vst v17;
	v6 =	vld.idx.msk [tilespmem:v6+s12+$0x0], $0xffff  }
0x16e: {  	s1 =	sadd.s32 $0x2, s1;
	s30 =	sadd.s32 s7, s8;
	v10 =	vld.idx.msk [tilespmem:v10+s12+$0x0], $0xffff;
	[tilespmem:s3+$0x280] =	vst v12  }
0x16f: {  	s9 =	sand.u32 $0x7, s1;
	s8 =	sadd.s32 $0x100, s8;
	s1 =	sadd.s32 $0x2, s1;
	v0 =	vadd.s32 $0x380, v0;
	[tilespmem:s15+$0x280] =	vst v11;
	v9 =	vld.idx.msk [tilespmem:v13+s12+$0x0], $0xffff  }
0x170: {  	s7 =	sor.u32 $0x300, s30;
	s9 =	sshll.u32 s9, $0x4;
	s1 =	sand.u32 $0x7, s1;
	[tilespmem:s26+$0x10800] =	vst v5;
	v1 =	vadd.s32 $0x380, v1;
	v8 =	vld.idx.msk [tilespmem:v8+s12+$0x0], $0xffff  }
0x171: {  	[tilespmem:s7+$0x10800] =	vst v15;
	s1 =	sshll.u32 s1, $0x4;
	v2 =	vld.idx.msk [tilespmem:v2+s12+$0x0], $0xffff;
	s3 =	sadd.s32 s9, s8;
	s8 =	sadd.s32 $0x100, s8  }
0x172: {  	v7 =	vld.idx.msk [tilespmem:v7+s12+$0x0], $0xffff;
	[tilespmem:s6+$0x10800] =	vst v6;
	s10 =	sor.u32 $0x300, s3;
	s1 =	sadd.s32 s1, s8  }
0x173: {  	v3 =	vld.idx.msk [tilespmem:v3+s12+$0x0], $0xffff;
	[tilespmem:s10+$0x10800] =	vst v10;
	s13 =	sor.u32 $0x300, s1  }
0x174: {  	v0 =	vld.idx.msk [tilespmem:v0+s12+$0x0], $0xffff;
	[tilespmem:s13+$0x10800] =	vst v9  }
0x175: {  	[tilespmem:s29+$0x10800] =	vst v8;
	v1 =	vld.idx.msk [tilespmem:v1+s12+$0x0], $0xffff  }
0x176: {  	[tilespmem:s0+$0x10800] =	vst v2;
	s2 =	sor.u32 $0x380, s30;
	v4 =	vld.idx.msk [tilespmem:v4+s12+$0x0], $0xffff  }
0x177: {  	[tilespmem:s2+$0x10800] =	vst v7  }
0x178: {  	[tilespmem:s25+$0x10800] =	vst v3;
	s14 =	sor.u32 $0x380, s3  }
0x179: {  	s15 =	sor.u32 $0x380, s1;
	[tilespmem:s14+$0x10800] =	vst v0  }
0x17a: {  	s16 =	rddreg [dreg:$0x2];
	s18 =	simm.s32 $0x0;
	[tilespmem:s15+$0x10800] =	vst v1  }
0x17b: {  	s19 =	simm.s32 $0x10800;
	s17 =	sadd.s32 s16, s21;
	s21 =	simm.s32 $0x4;
	[tilespmem:s5+$0x10800] =	vst v4  }
0x17c: {  	[hbm4b:s17+s18] =	stream.linear.scatter [tilespmem:s19], [sflag:$0x3], $0x4000, $0x38;
	[tilespmem:$0x18800] =	vst v63  }
0x17d: {  	_ =	swait.ge [sflag:s21], $0x4000  }
0x17e: {  	[sflag:s21] =	ssyncset.done $0x0  }
0x17f: {  	[sflag:s21] =	ssyncadd.s32 $0xFFFFC000;
	s21 =	simm.s32 $0x10  }
0x180: {  	v5 =	vld [tilespmem:s21+$0x0];
	_ =	sdelay $0x4  }
0x181: {  	v0 =	vadd.s32 $0x4000, v5;
	_ =	sdelay $0x4  }
0x182: {  	v0 =	vld.idx.msk [tilespmem:v0+s12+$0x0], $0xffff  }
0x183: {  	v1 =	vadd.s32 $0x4080, v5  }
0x184: {  	s22 =	sand.u32 $0x3C00, s18  }
0x185: {  	s24 =	sadd.s32 $0x14800, s22;
	s25 =	sand.u32 $0x70, s21;
	v3 =	vld [tilespmem:s21+$0xFFFFFFF0]  }
0x186: {  	s1 =	sor.u32 s25, s24  }
0x187: {  	[tilespmem:s1+$0x0] =	vst v0  }
0x188: {  	s26 =	simm.s32 $0x30;
	v1 =	vld.idx.msk [tilespmem:v1+s12+$0x0], $0xffff  }
0x189: {  	v2 =	vadd.s32 $0x4100, v5;
	v0 =	vld [tilespmem:s26+$0x0]  }
0x18a: {  	v6 =	vadd.s32 $0x4000, v3;
	_ =	sdelay $0x2  }
0x18b: {  	v4 =	vld [tilespmem:s26+$0xFFFFFFF0];
	[tilespmem:s1+$0x80] =	vst v1  }
0x18c: {  	v7 =	vadd.s32 $0x4000, v0;
	v1 =	vld.idx.msk [tilespmem:v2+s12+$0x0], $0xffff  }
0x18d: {  	v2 =	vld.idx.msk [tilespmem:v6+s12+$0x0], $0xffff;
	v6 =	vadd.s32 $0x4180, v5  }
0x18e: {  	v8 =	vadd.s32 $0x4080, v3  }
0x18f: {  	s30 =	simm.s32 $0x0  }
0x190: {  	s5 =	sand.u32 $0x60, s30  }
0x191: {  	s5 =	sor.u32 s5, s24;
	v9 =	vadd.s32 $0x4000, v4;
	v7 =	vld.idx.msk [tilespmem:v7+s12+$0x0], $0xffff;
	[tilespmem:s1+$0x100] =	vst v1  }
0x192: {  	s6 =	simm.s32 $0x100;
	v10 =	vadd.s32 $0x4080, v0;
	[tilespmem:s5+$0x0] =	vst v2;
	v2 =	vld.idx.msk [tilespmem:v6+s12+$0x0], $0xffff  }
0x193: {  	s7 =	simm.s32 $0x50;
	s2 =	sand.u32 $0x3C00, s6;
	v6 =	vld.idx.msk [tilespmem:v8+s12+$0x0], $0xffff;
	v8 =	vadd.s32 $0x4200, v5  }
0x194: {  	s2 =	sadd.s32 $0x14800, s2;
	s3 =	sand.u32 $0x70, s26;
	v11 =	vadd.s32 $0x4100, v3;
	v1 =	vld [tilespmem:s7+$0x0]  }
0x195: {  	s8 =	sor.u32 s3, s2;
	v12 =	vld [tilespmem:s7+$0xFFFFFFF0]  }
0x196: {  	v9 =	vld.idx.msk [tilespmem:v9+s12+$0x0], $0xffff;
	[tilespmem:s8+$0x0] =	vst v7  }
0x197: {  	v7 =	vld.idx.msk [tilespmem:v10+s12+$0x0], $0xffff;
	v10 =	vadd.s32 $0x4080, v4;
	[tilespmem:s1+$0x180] =	vst v2  }
0x198: {  	s9 =	simm.s32 $0x20;
	v2 =	vadd.s32 $0x4100, v0;
	[tilespmem:s5+$0x80] =	vst v6;
	v8 =	vld.idx.msk [tilespmem:v8+s12+$0x0], $0xffff  }
0x199: {  	s6 =	sand.u32 $0x60, s9;
	v13 =	vadd.s32 $0x4000, v1;
	v11 =	vld.idx.msk [tilespmem:v11+s12+$0x0], $0xffff  }
0x19a: {  	s22 =	sor.u32 s6, s2;
	s6 =	simm.s32 $0x70;
	v6 =	vadd.s32 $0x4280, v5  }
0x19b: {  	v24 =	vld [tilespmem:s6+$0xFFFFFFF0];
	v14 =	vadd.s32 $0x4180, v3;
	[tilespmem:s22+$0x0] =	vst v9  }
0x19c: {  	v9 =	vld.idx.msk [tilespmem:v10+s12+$0x0], $0xffff;
	[tilespmem:s8+$0x80] =	vst v7;
	v7 =	vadd.s32 $0x4000, v12  }
0x19d: {  	v10 =	vadd.s32 $0x4100, v4;
	v2 =	vld.idx.msk [tilespmem:v2+s12+$0x0], $0xffff;
	[tilespmem:s1+$0x200] =	vst v8  }
0x19e: {  	v8 =	vadd.s32 $0x4180, v0;
	[tilespmem:s5+$0x100] =	vst v11;
	v11 =	vld.idx.msk [tilespmem:v13+s12+$0x0], $0xffff  }
0x19f: {  	s10 =	simm.s32 $0x200;
	v15 =	vadd.s32 $0x4080, v1;
	v6 =	vld.idx.msk [tilespmem:v6+s12+$0x0], $0xffff  }
0x1a0: {  	s2 =	sand.u32 $0x3C00, s10;
	v13 =	vadd.s32 $0x4300, v5;
	v14 =	vld.idx.msk [tilespmem:v14+s12+$0x0], $0xffff  }
0x1a1: {  	s3 =	sand.u32 $0x70, s7;
	s2 =	sadd.s32 $0x14800, s2;
	[tilespmem:s22+$0x80] =	vst v9;
	v7 =	vld.idx.msk [tilespmem:v7+s12+$0x0], $0xffff  }
0x1a2: {  	s25 =	sor.u32 s3, s2;
	v9 =	vld.idx.msk [tilespmem:v10+s12+$0x0], $0xffff;
	[tilespmem:s8+$0x100] =	vst v2  }
0x1a3: {  	v10 =	vadd.s32 $0x4200, v3;
	v8 =	vld.idx.msk [tilespmem:v8+s12+$0x0], $0xffff;
	[tilespmem:s25+$0x0] =	vst v11  }
0x1a4: {  	s13 =	simm.s32 $0x40;
	[tilespmem:s1+$0x280] =	vst v6;
	v6 =	vadd.s32 $0x4200, v0;
	v15 =	vld.idx.msk [tilespmem:v15+s12+$0x0], $0xffff  }
0x1a5: {  	s1 =	sand.u32 $0x60, s13;
	v11 =	vld.idx.msk [tilespmem:v13+s12+$0x0], $0xffff;
	v13 =	vadd.s32 $0x4080, v12  }
0x1a6: {  	v16 =	vadd.s32 $0x4180, v4;
	[tilespmem:s5+$0x180] =	vst v14;
	s24 =	sor.u32 s1, s2  }
0x1a7: {  	s14 =	sand.u32 $0x7, s18;
	v5 =	vadd.s32 $0x4380, v5;
	v2 =	vld [tilespmem:s6+$0x0];
	[tilespmem:s24+$0x0] =	vst v7  }
0x1a8: {  	s15 =	sshll.u32 s14, $0x4;
	v14 =	vadd.s32 $0x4100, v1;
	v10 =	vld.idx.msk [tilespmem:v10+s12+$0x0], $0xffff;
	[tilespmem:s8+$0x180] =	vst v8  }
0x1a9: {  	s1 =	sadd.s32 $0x10, s15;
	[tilespmem:s22+$0x100] =	vst v9;
	v8 =	vadd.s32 $0x4280, v3;
	v6 =	vld.idx.msk [tilespmem:v6+s12+$0x0], $0xffff  }
0x1aa: {  	s16 =	sor.u32 $0x300, s1;
	[tilespmem:s25+$0x80] =	vst v15;
	v15 =	vadd.s32 $0x4000, v24;
	v7 =	vld.idx.msk [tilespmem:v13+s12+$0x0], $0xffff  }
0x1ab: {  	s0 =	sand.u32 $0x3, s18;
	v9 =	vadd.s32 $0x4280, v0;
	v13 =	vld.idx.msk [tilespmem:v16+s12+$0x0], $0xffff;
	[tilespmem:s16+$0x14800] =	vst v11  }
0x1ac: {  	s0 =	sshll.u32 s0, $0x5;
	v11 =	vadd.s32 $0x4000, v2;
	v5 =	vld.idx.msk [tilespmem:v5+s12+$0x0], $0xffff  }
0x1ad: {  	s0 =	sadd.s32 $0x0, s0;
	s10 =	simm.s32 $0x3;
	s18 =	simm.s32 $0x2;
	v16 =	vadd.s32 $0x4100, v12;
	[tilespmem:s5+$0x200] =	vst v10;
	v10 =	vld.idx.msk [tilespmem:v14+s12+$0x0], $0xffff  }
0x1ae: {  	s30 =	sand.u32 $0x3, s10;
	s17 =	simm.s32 $0x1;
	s3 =	sand.u32 $0x3, s18;
	v18 =	vadd.s32 $0x4180, v1;
	v17 =	vld.idx.msk [tilespmem:v8+s12+$0x0], $0xffff  }
0x1af: {  	s14 =	sshll.u32 s30, $0x5;
	s18 =	sand.u32 $0x70, s6;
	s3 =	sshll.u32 s3, $0x5;
	[tilespmem:s8+$0x200] =	vst v6;
	v6 =	vadd.s32 $0x4200, v4;
	v26 =	vld.idx.msk [tilespmem:v15+s12+$0x0], $0xffff  }
0x1b0: {  	s3 =	sadd.s32 $0x200, s3;
	v23 =	vadd.s32 $0x4300, v3;
	s26 =	sor.u32 $0x380, s0;
	s2 =	sand.u32 $0x3, s17;
	v22 =	vld.idx.msk [tilespmem:v9+s12+$0x0], $0xffff;
	[tilespmem:s24+$0x80] =	vst v7  }
0x1b1: {  	v27 =	vadd.s32 $0x4300, v0;
	s2 =	sshll.u32 s2, $0x5;
	s19 =	sor.u32 $0x380, s1;
	s1 =	simm.s32 $0x300;
	v28 =	vadd.s32 $0x4080, v2;
	v14 =	vadd.s32 $0x4180, v12;
	v25 =	vld.idx.msk [tilespmem:v11+s12+$0x0], $0xffff;
	[tilespmem:s22+$0x180] =	vst v13  }
0x1b2: {  	s7 =	sor.u32 $0x300, s0;
	s2 =	sadd.s32 $0x100, s2;
	s15 =	sand.u32 $0x3C00, s1;
	v15 =	vadd.s32 $0x4200, v24;
	v13 =	vadd.s32 $0x4200, v12;
	v11 =	vadd.s32 $0x4280, v12;
	v19 =	vld.idx.msk [tilespmem:v16+s12+$0x0], $0xffff;
	[tilespmem:s25+$0x100] =	vst v10  }
0x1b3: {  	s0 =	sor.u32 $0x300, s3;
	s29 =	sor.u32 $0x300, s2;
	s28 =	sor.u32 $0x380, s2;
	v7 =	vadd.s32 $0x4300, v12;
	[tilespmem:s19+$0x14800] =	vst v5;
	v5 =	vadd.s32 $0x4380, v12;
	v16 =	vadd.s32 $0x4100, v24;
	v20 =	vld.idx.msk [tilespmem:v18+s12+$0x0], $0xffff  }
0x1b4: {  	s2 =	sor.u32 $0x380, s3;
	s17 =	sadd.s32 $0x14800, s15;
	s16 =	simm.s32 $0x60;
	v12 =	vadd.s32 $0x4280, v24;
	v10 =	vadd.s32 $0x4300, v24;
	v18 =	vadd.s32 $0x4080, v24;
	[tilespmem:s5+$0x280] =	vst v17;
	v21 =	vld.idx.msk [tilespmem:v6+s12+$0x0], $0xffff  }
0x1b5: {  	s15 =	simm.s32 $0x90;
	s9 =	sor.u32 s18, s17;
	s30 =	sand.u32 $0x60, s16;
	v17 =	vadd.s32 $0x4180, v24;
	v23 =	vld.idx.msk [tilespmem:v23+s12+$0x0], $0xffff;
	v6 =	vadd.s32 $0x4380, v24;
	v24 =	vadd.s32 $0x4200, v1;
	[tilespmem:s8+$0x280] =	vst v22  }
0x1b6: {  	v3 =	vadd.s32 $0x4380, v3;
	s3 =	sor.u32 s30, s17;
	s19 =	sadd.s32 $0x300, s14;
	s14 =	simm.s32 $0x6;
	[tilespmem:s9+$0x0] =	vst v25;
	v22 =	vld.idx.msk [tilespmem:v27+s12+$0x0], $0xffff  }
0x1b7: {  	v8 =	vadd.s32 $0x4300, v4;
	v9 =	vadd.s32 $0x4280, v4;
	v4 =	vadd.s32 $0x4380, v4;
	s5 =	sor.u32 $0x300, s19;
	[tilespmem:s3+$0x0] =	vst v26;
	s8 =	sor.u32 $0x380, s19;
	s19 =	simm.s32 $0x2;
	v25 =	vld.idx.msk [tilespmem:v28+s12+$0x0], $0xffff  }
.LBB2_9:
0x1b8: {  	s14 =	sadd.s32 $0x2, s14;
	[tilespmem:s24+$0x100] =	vst v19;
	s16 =	sand.u32 $0x7, s19;
	v19 =	vadd.s32 $0x4380, v0;
	v0 =	vmov v1;
	v1 =	vmov v2;
	v2 =	vld [tilespmem:s15+$0x0];
	s13 =	smov.u32 s22  }
0x1b9: {  	s21 =	sadd.s32 $0x100, s21;
	v26 =	vld [tilespmem:s15+$0xFFFFFFF0];
	p0 =	slt.u32 s14, $0x7E;
	v27 =	vadd.s32 $0x4100, v1;
	[tilespmem:s25+$0x180] =	vst v20;
	s16 =	sshll.u32 s16, $0x4  }
0x1ba: {  	s22 =	smov.u32 s24;
	s24 =	smov.u32 s3;
	v20 =	vld.idx.msk [tilespmem:v24+s12+$0x0], $0xffff;
	s16 =	sadd.s32 s16, s21;
	[tilespmem:s13+$0x200] =	vst v21  }
0x1bb: {  	v21 =	vld.idx.msk [tilespmem:v18+s12+$0x0], $0xffff;
	s3 =	sor.u32 $0x300, s16;
	[tilespmem:s7+$0x14800] =	vst v23;
	s7 =	smov.u32 s29;
	s29 =	smov.u32 s0  }
0x1bc: {  	v24 =	vadd.s32 $0x4280, v0;
	s0 =	smov.u32 s5;
	v23 =	vld.idx.msk [tilespmem:v14+s12+$0x0], $0xffff;
	[tilespmem:s3+$0x14800] =	vst v22;
	v14 =	vmov v17;
	s3 =	smov.u32 s26;
	s26 =	smov.u32 s28  }
0x1bd: {  	s28 =	smov.u32 s2;
	s2 =	smov.u32 s8;
	v22 =	vadd.s32 $0x4000, v2;
	[tilespmem:s9+$0x80] =	vst v25;
	v19 =	vld.idx.msk [tilespmem:v19+s12+$0x0], $0xffff  }
0x1be: {  	v25 =	vadd.s32 $0x4000, v26;
	v18 =	vadd.s32 $0x4080, v26;
	v28 =	vadd.s32 $0x4100, v26;
	v27 =	vld.idx.msk [tilespmem:v27+s12+$0x0], $0xffff  }
0x1bf: {  	v17 =	vadd.s32 $0x4180, v26;
	v29 =	vadd.s32 $0x4200, v26;
	v30 =	vld.idx.msk [tilespmem:v9+s12+$0x0], $0xffff;
	v9 =	vmovc v11;
	v11 =	vmovc v12;
	v12 =	vadd.s32 $0x4280, v26  }
0x1c0: {  	v32 =	vadd.s32 $0x4180, v1;
	v31 =	vadd.s32 $0x4300, v26;
	v26 =	vadd.s32 $0x4380, v26;
	[tilespmem:s25+$0x200] =	vst v20;
	v33 =	vld.idx.msk [tilespmem:v3+s12+$0x0], $0xffff;
	v3 =	vmovc v4;
	v4 =	vmovc v5  }
0x1c1: {  	v5 =	vmov v6;
	v6 =	vmov v26;
	[tilespmem:s24+$0x80] =	vst v21;
	v34 =	vld.idx.msk [tilespmem:v24+s12+$0x0], $0xffff  }
0x1c2: {  	s10 =	sadd.s32 $0x1, s10;
	s5 =	sor.u32 $0x380, s16;
	v22 =	vld.idx.msk [tilespmem:v22+s12+$0x0], $0xffff;
	[tilespmem:s22+$0x180] =	vst v23  }
0x1c3: {  	s8 =	sand.u32 $0x3, s10;
	v26 =	vadd.s32 $0x4300, v0;
	v25 =	vld.idx.msk [tilespmem:v25+s12+$0x0], $0xffff;
	[tilespmem:s5+$0x14800] =	vst v19  }
0x1c4: {  	s1 =	sadd.s32 $0x100, s1;
	s6 =	sadd.s32 $0x20, s6;
	v35 =	vadd.s32 $0x4080, v2;
	s5 =	sshll.u32 s8, $0x5;
	v19 =	vld.idx.msk [tilespmem:v16+s12+$0x0], $0xffff;
	[tilespmem:s9+$0x100] =	vst v27;
	v16 =	vmov v28  }
.Ltmp3:
0x1c5: {  	s8 =	sadd.s32 s5, s1;
	s5 =	sand.u32 $0x3C00, s1;
	v20 =	vld.idx.msk [tilespmem:v32+s12+$0x0], $0xffff;
	[tilespmem:s13+$0x280] =	vst v30;
	(pc) =	sbr.rel @p0 .LBB2_9-.Ltmp3, $4  }
0x1c6: {  	s17 =	sand.u32 $0x70, s6;
	s13 =	sadd.s32 $0xFFFFFFF0, s6;
	s16 =	sadd.s32 $0x14800, s5;
	v21 =	vld.idx.msk [tilespmem:v13+s12+$0x0], $0xffff;
	[tilespmem:s3+$0x14800] =	vst v33;
	v13 =	vmov v15;
	v15 =	vmov v29  }
0x1c7: {  	v24 =	vadd.s32 $0x4200, v1;
	s5 =	sor.u32 $0x300, s8;
	s3 =	sand.u32 $0x60, s13;
	s13 =	sor.u32 s17, s16;
	[tilespmem:s25+$0x280] =	vst v34;
	v23 =	vld.idx.msk [tilespmem:v8+s12+$0x0], $0xffff;
	v8 =	vmovc v7;
	v7 =	vmov v10;
	v10 =	vmov v31  }
0x1c8: {  	s8 =	sor.u32 $0x380, s8;
	s3 =	sor.u32 s3, s16;
	s25 =	smov.u32 s9;
	[tilespmem:s13+$0x0] =	vst v22;
	v22 =	vld.idx.msk [tilespmem:v26+s12+$0x0], $0xffff  }
0x1c9: {  	s19 =	sadd.s32 $0x2, s19;
	s15 =	sadd.s32 $0x20, s15;
	s9 =	smov.u32 s13;
	[tilespmem:s3+$0x0] =	vst v25;
	v25 =	vld.idx.msk [tilespmem:v35+s12+$0x0], $0xffff  }
0x1ca: {  	_ =	sdelay $0x3  }
0x1cb: {  	v26 =	vadd.s32 $0x4100, v2;
	v18 =	vld.idx.msk [tilespmem:v18+s12+$0x0], $0xffff;
	_ =	sdelay $0x3  }
0x1cc: {  	[tilespmem:s9+$0x80] =	vst v25  }
0x1cd: {  	v25 =	vld.idx.msk [tilespmem:v26+s12+$0x0], $0xffff;
	[tilespmem:s3+$0x80] =	vst v18  }
0x1ce: {  	v49 =	vadd.s32 $0x4180, v2;
	v16 =	vld.idx.msk [tilespmem:v16+s12+$0x0], $0xffff;
	_ =	sdelay $0x1  }
0x1cf: {  	[tilespmem:s24+$0x100] =	vst v19  }
0x1d0: {  	v14 =	vld.idx.msk [tilespmem:v14+s12+$0x0], $0xffff  }
0x1d1: {  	[tilespmem:s9+$0x100] =	vst v25  }
0x1d2: {  	v18 =	vld.idx.msk [tilespmem:v49+s12+$0x0], $0xffff;
	[tilespmem:s3+$0x100] =	vst v16  }
0x1d3: {  	v50 =	vadd.s32 $0x4200, v2;
	v16 =	vld.idx.msk [tilespmem:v17+s12+$0x0], $0xffff;
	_ =	sdelay $0x1  }
0x1d4: {  	[tilespmem:s24+$0x180] =	vst v14  }
0x1d5: {  	[tilespmem:s25+$0x180] =	vst v20;
	v13 =	vld.idx.msk [tilespmem:v13+s12+$0x0], $0xffff  }
0x1d6: {  	v51 =	vld.idx.msk [tilespmem:v24+s12+$0x0], $0xffff;
	[tilespmem:s9+$0x180] =	vst v18  }
0x1d7: {  	v52 =	vadd.s32 $0x4280, v1;
	v53 =	vld.idx.msk [tilespmem:v50+s12+$0x0], $0xffff;
	[tilespmem:s3+$0x180] =	vst v16  }
0x1d8: {  	v54 =	vadd.s32 $0x4280, v2;
	[tilespmem:s22+$0x200] =	vst v21;
	v15 =	vld.idx.msk [tilespmem:v15+s12+$0x0], $0xffff  }
0x1d9: {  	[tilespmem:s7+$0x14800] =	vst v23  }
0x1da: {  	s1 =	sand.u32 $0x7, s19;
	v9 =	vld.idx.msk [tilespmem:v9+s12+$0x0], $0xffff;
	[tilespmem:s24+$0x200] =	vst v13  }
0x1db: {  	s6 =	sadd.s32 $0x100, s21;
	s1 =	sshll.u32 s1, $0x4;
	[tilespmem:s25+$0x200] =	vst v51;
	v11 =	vld.idx.msk [tilespmem:v11+s12+$0x0], $0xffff  }
0x1dc: {  	s1 =	sadd.s32 s1, s6;
	v55 =	vld.idx.msk [tilespmem:v52+s12+$0x0], $0xffff;
	[tilespmem:s9+$0x200] =	vst v53  }
0x1dd: {  	v56 =	vadd.s32 $0x4300, v1;
	s18 =	sor.u32 $0x300, s1;
	v57 =	vld.idx.msk [tilespmem:v54+s12+$0x0], $0xffff;
	[tilespmem:s3+$0x200] =	vst v15  }
0x1de: {  	v58 =	vadd.s32 $0x4300, v2;
	[tilespmem:s18+$0x14800] =	vst v22;
	v12 =	vld.idx.msk [tilespmem:v12+s12+$0x0], $0xffff  }
0x1df: {  	v3 =	vld.idx.msk [tilespmem:v3+s12+$0x0], $0xffff;
	[tilespmem:s22+$0x280] =	vst v9  }
0x1e0: {  	v0 =	vadd.s32 $0x4380, v0;
	v8 =	vld.idx.msk [tilespmem:v8+s12+$0x0], $0xffff;
	[tilespmem:s24+$0x280] =	vst v11  }
0x1e1: {  	[tilespmem:s25+$0x280] =	vst v55;
	v7 =	vld.idx.msk [tilespmem:v7+s12+$0x0], $0xffff  }
0x1e2: {  	s19 =	sadd.s32 $0x2, s19;
	v59 =	vld.idx.msk [tilespmem:v56+s12+$0x0], $0xffff;
	[tilespmem:s9+$0x280] =	vst v57  }
0x1e3: {  	v60 =	vadd.s32 $0x4380, v1;
	s10 =	sand.u32 $0x7, s19;
	s7 =	sadd.s32 $0x2, s19;
	v61 =	vld.idx.msk [tilespmem:v58+s12+$0x0], $0xffff;
	[tilespmem:s3+$0x280] =	vst v12  }
0x1e4: {  	v62 =	vadd.s32 $0x4380, v2;
	s21 =	sshll.u32 s10, $0x4;
	s6 =	sadd.s32 $0x100, s6;
	s7 =	sand.u32 $0x7, s7;
	[tilespmem:s26+$0x14800] =	vst v3;
	v63 =	vld.idx.msk [tilespmem:v10+s12+$0x0], $0xffff  }
0x1e5: {  	v0 =	vld.idx.msk [tilespmem:v0+s12+$0x0], $0xffff;
	[tilespmem:s29+$0x14800] =	vst v8;
	s24 =	sshll.u32 s7, $0x4;
	s9 =	sadd.s32 s21, s6;
	s6 =	sadd.s32 $0x100, s6  }
0x1e6: {  	v4 =	vld.idx.msk [tilespmem:v4+s12+$0x0], $0xffff;
	[tilespmem:s0+$0x14800] =	vst v7;
	s22 =	sor.u32 $0x300, s9;
	s25 =	sadd.s32 s24, s6  }
0x1e7: {  	v5 =	vld.idx.msk [tilespmem:v5+s12+$0x0], $0xffff;
	[tilespmem:s22+$0x14800] =	vst v59;
	s3 =	sor.u32 $0x300, s25  }
0x1e8: {  	v1 =	vld.idx.msk [tilespmem:v60+s12+$0x0], $0xffff;
	[tilespmem:s3+$0x14800] =	vst v61  }
0x1e9: {  	s1 =	sor.u32 $0x380, s1;
	v2 =	vld.idx.msk [tilespmem:v62+s12+$0x0], $0xffff;
	[tilespmem:s5+$0x14800] =	vst v63  }
0x1ea: {  	s20 =	sadd.s32 $0x1, s20;
	[tilespmem:s1+$0x14800] =	vst v0;
	v0 =	vld.idx.msk [tilespmem:v6+s12+$0x0], $0xffff  }
0x1eb: {  	p0 =	sne.s32 s20, $0x20;
	[tilespmem:s28+$0x14800] =	vst v4  }
.Ltmp4:
0x1ec: {  	s26 =	sor.u32 $0x380, s9;
	[tilespmem:s2+$0x14800] =	vst v5;
	(pc) =	sbr.rel @p0 .LBB2_2-.Ltmp4, $4  }
0x1ed: {  	s28 =	sor.u32 $0x380, s25;
	[tilespmem:s26+$0x14800] =	vst v1  }
0x1ee: {  	[tilespmem:s28+$0x14800] =	vst v2  }
0x1ef: {  	s30 =	simm.s32 $0x14800;
	s29 =	sadd.s32 $0x1800, s23;
	[tilespmem:s8+$0x14800] =	vst v0  }
0x1f0: {  	[hbm4b:s29+s4] =	stream.linear.scatter [tilespmem:s30], [sflag:$0x4], $0x4000, $0x38;
	[tilespmem:$0x18800] =	vst v63  }
0x1f1: {  	s0 =	simm.s32 $0x3  }
0x1f2: {  	_ =	swait.ge [sflag:s0], $0x4000  }
0x1f3: {  	[sflag:s0] =	ssyncset.done $0x0  }
0x1f4: {  	s1 =	simm.s32 $0x4;
	[sflag:s0] =	ssyncadd.s32 $0xFFFFC000  }
0x1f5: {  	_ =	swait.ge [sflag:s1], $0x4000  }
0x1f6: {  	s2 =	rddreg [dreg:$0x9]  }
0x1f7: {  	s30 =	rddreg [dreg:$0x8];
	s2 =	sadd.s32 $0x1, s2  }
0x1f8: {  	p0 =	sne.s32 s2, s30  }
.Ltmp5:
0x1f9: {  	_ = 	snop;
	(pc) =	sbr.rel @p0 .LBB2_1-.Ltmp5, $3  }
0x1fa: {  	_ =	sdelay $0x1  }
0x1fb: {  	[sflag:s1] =	ssyncset.done $0x0  }
0x1fc: {  	[sflag:s1] =	ssyncadd.s32 $0xFFFFC000  }
0x1fd: {  	_ =	sfence.sel $0x180000  }
0x1fe: {  	[bflag:$0x0] =	sbarrier.arrive $0xFFFF  }
0x1ff: {  	_ =	strace $0x90000047  }
0x200: {  	s0 =	stileid.u32;
	[bflag:$0x2] =	sbarrier.arrive $0xFFFF  }
0x201: {  	p0 =	sne.s32 s0, $0x0;
	s0 =	rddreg [dreg:$0x3]  }
0x202: {  	s0 =	sadd.s32 @!p0 $0x100000, s0  }
0x203: {  	[sflag:s0] =	ssyncadd.tile.s32 @!p0 $0x1;
	_ =	shalt  }
.Lfunc_end2:
_tile_overlayer_lowered:
.L_overlay_start_2:
0x204: {  	(tag) =	ssettag $0x2  }
0x205: {  	s0 =	rddreg [dreg:$0x0];
	s2 =	stileid.u32  }
0x206: {  	s1 =	rddreg [dreg:$0x1];
	p0 =	sne.s32 s2, $0x0  }
0x207: {  	s3 =	rddreg [dreg:$0x2];
	[bflag:$0x3] =	sbarrier.arrive $0xFFFF;
	s2 =	simm.s32 @!p0 $0x1C05  }
0x208: {  	[timem:s3], [sflag:s2] =	dma.local @!p0 [hbm:s0], s1  }
0x209: {  	s0 =	simm.s32 @!p0 $0x5  }
0x20a: {  	_ =	swait.ge @!p0 [sflag:s0], s1  }
0x20b: {  	s1 =	ssub.s32 @!p0 $0x0, s1;
	[sflag:s0] =	ssyncset.done @!p0 $0x0  }
0x20c: {  	[sflag:s0] =	ssyncadd.s32 @!p0 s1  }
0x20d: {  	[bflag:$0x3] =	sbarrier.arrive $0xFFFF  }
0x20e: {  	_ =	shalt  }

</sc_bundles>
